<compile_context>
chip_gen: v7x
topology: tpu7x:2x2x1
jax: 0.10.2.dev20260603
libtpu: 0.0.44.dev20260713+nightly
codegen_flags: <defaults>
</compile_context>

<pallas_src>
import jax
import jax.numpy as jnp
from jax import lax
from jax.experimental import pallas as pl
from jax.experimental.pallas import tpu as pltpu
from jax.experimental.pallas import tpu_sc as plsc

N_NODES = 10000
E_EDGES = 320000
CH = 128

NC = 2
NS = 16
NW = NC * NS
EPW = E_EDGES // NW
RPT = N_NODES // NS
WB = 624
WB_LAST = N_NODES - 15 * WB
DDEG = 8

CHK_D = 128
EPAD = 10112
NCHK_D = EPAD // CHK_D
DUMP = N_NODES
NDEG = N_NODES + 8

RBLK = 1000
NBLK = N_NODES // RBLK

DEG_W = 8


def _deg_body(dst1d, zerosd, ones8, degp, ones_v, dsts_v, deg_sh, sem):
    cid = lax.axis_index("c")
    sid = lax.axis_index("s")
    wid = sid * NC + cid

    @pl.when(sid < NS - 1)
    def _():
        pltpu.sync_copy(zerosd.at[pl.ds(0, WB)], deg_sh.at[pl.ds(sid * WB, WB)])

    @pl.when(sid == NS - 1)
    def _():
        pltpu.sync_copy(zerosd, deg_sh.at[pl.ds((NS - 1) * WB, NDEG - (NS - 1) * WB)])

    pltpu.sync_copy(ones8, ones_v)
    pltpu.sync_copy(dst1d.at[pl.ds(wid * EPW, EPW)], dsts_v.at[pl.ds(0, EPW)])
    for k in range((EPAD - EPW) // 16):
        dsts_v[pl.ds(EPW + 16 * k, 16)] = jnp.full((16,), DUMP, jnp.int32)
    plsc.subcore_barrier()

    def sc_desc(c):
        return pltpu.make_async_copy(
            ones_v, deg_sh.at[dsts_v.at[pl.ds(c * CHK_D, CHK_D)]], sem
        )

    def body(c, carry):
        pltpu.async_copy(
            ones_v, deg_sh.at[dsts_v.at[pl.ds(c * CHK_D, CHK_D)]], sem, add=True
        )

        @pl.when(c >= DEG_W)
        def _():
            sc_desc(c).wait()

        return carry

    lax.fori_loop(0, NCHK_D, body, 0)

    def drain(c, carry):
        sc_desc(c).wait()
        return carry

    lax.fori_loop(0, DEG_W, drain, 0)
    plsc.subcore_barrier()

    @pl.when(sid < NS - 1)
    def _():
        pltpu.sync_copy(
            deg_sh.at[pl.ds(sid * WB, WB)], degp.at[cid, pl.ds(sid * WB, WB)]
        )

    @pl.when(sid == NS - 1)
    def _():
        pltpu.sync_copy(
            deg_sh.at[pl.ds((NS - 1) * WB, WB_LAST)],
            degp.at[cid, pl.ds((NS - 1) * WB, WB_LAST)],
        )


def _sc_calls():
    mesh = plsc.VectorSubcoreMesh(
        core_axis_name="c", subcore_axis_name="s", num_cores=NC, num_subcores=NS
    )
    deg_call = pl.kernel(
        _deg_body,
        out_type=jax.ShapeDtypeStruct((NC, N_NODES, DDEG), jnp.float32),
        mesh=mesh,
        scratch_types=[
            pltpu.VMEM((CHK_D, DDEG), jnp.float32),
            pltpu.VMEM((EPAD,), jnp.int32),
            pltpu.VMEM_SHARED((NDEG, DDEG), jnp.float32),
            pltpu.SemaphoreType.DMA,
        ],
    )
    msg_call = pl.kernel(
        _msg_body,
        out_type=jax.ShapeDtypeStruct((NC, N_NODES, CH), jnp.float32),
        mesh=mesh,
        scratch_types=[
            pltpu.VMEM((EPW,), jnp.int32),
            pltpu.VMEM((EPW,), jnp.int32),
            pltpu.VMEM((NBUF, CHK_M, CH), jnp.float32),
            pltpu.VMEM_SHARED((N_NODES, CH), jnp.float32),
        ]
        + [pltpu.SemaphoreType.DMA] * (2 * NBUF),
    )
    return deg_call, msg_call


CHK_M = 40
NCHK_M = EPW // CHK_M
NBUF = 5
PRO = NCHK_M % NBUF
NROUND = (NCHK_M - PRO) // NBUF


def _msg_body(
    src1d, dst1d, y, zerosz, zpart, srcs_v, dsts_v, rows_v, z_sh,
    g0, g1, g2, g3, g4, s0, s1, s2, s3, s4
):
    gsem = [g0, g1, g2, g3, g4]
    ssem = [s0, s1, s2, s3, s4]
    cid = lax.axis_index("c")
    sid = lax.axis_index("s")
    wid = sid * NC + cid

    @pl.when(sid < NS - 1)
    def _():
        pltpu.async_copy(
            zerosz.at[pl.ds(0, WB)], z_sh.at[pl.ds(sid * WB, WB)], g0
        )

    @pl.when(sid == NS - 1)
    def _():
        pltpu.async_copy(
            zerosz.at[pl.ds(0, WB)], z_sh.at[pl.ds((NS - 1) * WB, WB)], g0
        )
        pltpu.async_copy(
            zerosz.at[pl.ds(WB, WB_LAST - WB)],
            z_sh.at[pl.ds((NS - 1) * WB + WB, WB_LAST - WB)],
            s0,
        )
        pltpu.make_async_copy(
            zerosz.at[pl.ds(WB, WB_LAST - WB)],
            z_sh.at[pl.ds((NS - 1) * WB + WB, WB_LAST - WB)],
            s0,
        ).wait()

    d_src = pltpu.async_copy(src1d.at[pl.ds(wid * EPW, EPW)], srcs_v, g1)
    d_dst = pltpu.async_copy(dst1d.at[pl.ds(wid * EPW, EPW)], dsts_v, g2)
    pltpu.make_async_copy(
        zerosz.at[pl.ds(0, WB)], z_sh.at[pl.ds(sid * WB, WB)], g0
    ).wait()
    d_src.wait()
    d_dst.wait()
    plsc.subcore_barrier()

    def g_desc(c, b):
        return pltpu.make_async_copy(
            y.at[srcs_v.at[pl.ds(c * CHK_M, CHK_M)]], rows_v.at[b], gsem[b]
        )

    for c in range(PRO):
        g_desc(c, 0).start()
        g_desc(c, 0).wait()
        pltpu.sync_copy(
            rows_v.at[0], z_sh.at[dsts_v.at[pl.ds(c * CHK_M, CHK_M)]], add=True
        )

    for b in range(NBUF):
        g_desc(PRO + b, b).start()

    def round_(i, carry):
        c0 = PRO + i * NBUF
        sdescs = []
        for b in range(NBUF):
            g_desc(c0 + b, b).wait()
            sdescs.append(
                pltpu.async_copy(
                    rows_v.at[b],
                    z_sh.at[dsts_v.at[pl.ds((c0 + b) * CHK_M, CHK_M)]],
                    ssem[b],
                    add=True,
                )
            )
        for b in range(NBUF):
            sdescs[b].wait()

            @pl.when(i < NROUND - 1)
            def _():
                g_desc(c0 + NBUF + b, b).start()

        return carry

    lax.fori_loop(0, NROUND, round_, 0)
    plsc.subcore_barrier()

    @pl.when(sid < NS - 1)
    def _():
        pltpu.sync_copy(
            z_sh.at[pl.ds(sid * WB, WB)], zpart.at[cid, pl.ds(sid * WB, WB)]
        )

    @pl.when(sid == NS - 1)
    def _():
        pltpu.sync_copy(
            z_sh.at[pl.ds((NS - 1) * WB, WB_LAST)],
            zpart.at[cid, pl.ds((NS - 1) * WB, WB_LAST)],
        )




def _mm_body(x_ref, w_ref, degp_ref, y_ref):
    deg = 1.0 + degp_ref[0, :, 0] + degp_ref[1, :, 0]
    dinv = lax.rsqrt(deg)
    xw = jnp.dot(x_ref[...], w_ref[...], preferred_element_type=jnp.float32)
    y_ref[...] = xw * dinv[:, None]


def _mm_call(x, w, degp):
    return pl.pallas_call(
        _mm_body,
        grid=(NBLK,),
        in_specs=[
            pl.BlockSpec((RBLK, CH), lambda i: (i, 0)),
            pl.BlockSpec((CH, CH), lambda i: (0, 0)),
            pl.BlockSpec((NC, RBLK, DDEG), lambda i: (0, i, 0)),
        ],
        out_specs=pl.BlockSpec((RBLK, CH), lambda i: (i, 0)),
        out_shape=jax.ShapeDtypeStruct((N_NODES, CH), jnp.float32),
    )(x, w, degp)


def _fin_body(
    zp_ref, y_ref, degp_ref, bconv_ref, x0_ref, w0_ref, b0_ref,
    w1_ref, b1_ref, w2_ref, b2_ref, out_ref, acc_ref
):
    i = pl.program_id(0)

    @pl.when(i == 0)
    def _():
        acc_ref[...] = jnp.zeros_like(acc_ref)

    deg = 1.0 + degp_ref[0, :, 0] + degp_ref[1, :, 0]
    dinv = lax.rsqrt(deg)
    t = (zp_ref[0] + zp_ref[1] + y_ref[...]) * dinv[:, None] + bconv_ref[...]
    t = jnp.maximum(t, 0.0)
    bm = jnp.max(t, axis=0, keepdims=True)
    acc_ref[...] = jnp.maximum(acc_ref[...], bm)

    @pl.when(i == pl.num_programs(0) - 1)
    def _():
        hmax = acc_ref[...]
        news = jnp.dot(x0_ref[...], w0_ref[...], preferred_element_type=jnp.float32)
        news = jnp.maximum(news + b0_ref[...], 0.0)
        cat = jnp.concatenate([news, hmax], axis=1)
        u = jnp.dot(cat, w1_ref[...], preferred_element_type=jnp.float32)
        u = jnp.maximum(u + b1_ref[...], 0.0)
        out_ref[...] = (
            jnp.dot(u, w2_ref[...], preferred_element_type=jnp.float32) + b2_ref[...]
        )


def _fin_call(zp, y, degp, bconv, x0, w0, b0, w1, b1, w2, b2):
    full = lambda shape: pl.BlockSpec(shape, lambda i: tuple(0 for _ in shape))
    return pl.pallas_call(
        _fin_body,
        grid=(NBLK,),
        in_specs=[
            pl.BlockSpec((NC, RBLK, CH), lambda i: (0, i, 0)),
            pl.BlockSpec((RBLK, CH), lambda i: (i, 0)),
            pl.BlockSpec((NC, RBLK, DDEG), lambda i: (0, i, 0)),
            full((1, CH)),
            full((1, CH)),
            full((CH, CH)),
            full((1, CH)),
            full((2 * CH, CH)),
            full((1, CH)),
            full((CH, CH)),
            full((1, CH)),
        ],
        out_specs=pl.BlockSpec((1, CH), lambda i: (0, 0)),
        out_shape=jax.ShapeDtypeStruct((1, CH), jnp.float32),
        scratch_shapes=[pltpu.VMEM((1, CH), jnp.float32)],
    )(zp, y, degp, bconv, x0, w0, b0, w1, b1, w2, b2)


def kernel(x, edge_index, W_conv, b_conv, lin0_W, lin0_b, lin1_W, lin1_b, lin2_W, lin2_b):
    src1d = edge_index[0]
    dst1d = edge_index[1]
    zerosd = jnp.zeros((NDEG - (NS - 1) * WB, DDEG), jnp.float32)
    ones8 = jnp.ones((CHK_D, DDEG), jnp.float32)
    zerosz = jnp.zeros((WB_LAST, CH), jnp.float32)

    deg_call, msg_call = _sc_calls()
    degp = deg_call(dst1d, zerosd, ones8)
    y = _mm_call(x, W_conv, degp)
    zp = msg_call(src1d, dst1d, y, zerosz)
    out = _fin_call(
        zp, y, degp,
        b_conv.reshape(1, CH), x[0:1], lin0_W, lin0_b.reshape(1, CH),
        lin1_W, lin1_b.reshape(1, CH), lin2_W, lin2_b.reshape(1, CH),
    )
    return out.reshape(CH)

# --- scband reference (transcript-rebuilt; emitter-appended) ---
"""Pipeline reference for scband-net-27711128994265 (READ-ONLY COPY).

The authoritative reference and input builder live on the scoring server;
editing this copy changes nothing except your own understanding.
"""

import jax, jax.numpy as jnp
import numpy as np

N_NODES = 10000
E_EDGES = 320000
IN_CH = 128
HID = 128
OUT_CH = 128


def gcn_conv(x, edge_index, W, b):
    # Faithful to torch_geometric GCNConv (add_self_loops=True, normalize=True)
    N = x.shape[0]
    src = edge_index[0]
    dst = edge_index[1]
    loop = jnp.arange(N, dtype=src.dtype)
    src = jnp.concatenate([src, loop])
    dst = jnp.concatenate([dst, loop])
    xw = x @ W
    ew = jnp.ones(src.shape[0], dtype=x.dtype)
    deg = jnp.zeros((N,), dtype=x.dtype).at[dst].add(ew)
    deg_inv_sqrt = jnp.where(deg > 0, deg ** -0.5, 0.0)
    norm = deg_inv_sqrt[src] * ew * deg_inv_sqrt[dst]
    msgs = xw[src] * norm[:, None]
    out = jnp.zeros_like(xw).at[dst].add(msgs)
    return out + b


def setup_inputs(seed: int = 0):
    key = jax.random.key(seed)
    ks = jax.random.split(key, 10)
    x = jax.random.normal(ks[0], (N_NODES, IN_CH), dtype=jnp.float32)
    edge_index = jax.random.randint(ks[1], (2, E_EDGES), 0, N_NODES, dtype=jnp.int32)
    W_conv = jax.random.normal(ks[2], (IN_CH, HID), dtype=jnp.float32) / np.sqrt(IN_CH)
    b_conv = jnp.zeros((HID,), dtype=jnp.float32)
    lin0_W = jax.random.normal(ks[3], (IN_CH, HID), dtype=jnp.float32) / np.sqrt(IN_CH)
    lin0_b = jnp.zeros((HID,), dtype=jnp.float32)
    lin1_W = jax.random.normal(ks[4], (2 * HID, HID), dtype=jnp.float32) / np.sqrt(2 * HID)
    lin1_b = jnp.zeros((HID,), dtype=jnp.float32)
    lin2_W = jax.random.normal(ks[5], (HID, OUT_CH), dtype=jnp.float32) / np.sqrt(HID)
    lin2_b = jnp.zeros((OUT_CH,), dtype=jnp.float32)
    return {
        "x": x,
        "edge_index": edge_index,
        "W_conv": W_conv,
        "b_conv": b_conv,
        "lin0_W": lin0_W,
        "lin0_b": lin0_b,
        "lin1_W": lin1_W,
        "lin1_b": lin1_b,
        "lin2_W": lin2_W,
        "lin2_b": lin2_b,
    }


def reference(x, edge_index, W_conv, b_conv, lin0_W, lin0_b, lin1_W, lin1_b, lin2_W, lin2_b):
    h = jax.nn.relu(gcn_conv(x, edge_index, W_conv, b_conv))
    h = jnp.max(h, axis=-2)
    news = x[0]
    news = jax.nn.relu(news @ lin0_W + lin0_b)
    h = jax.nn.relu(jnp.concatenate([news, h], axis=-1) @ lin1_W + lin1_b)
    h = h @ lin2_W + lin2_b
    return h

if __name__ == "__main__":
    import jax
    _d = setup_inputs()
    print(jax.jit(kernel)(*tuple(_d.values())))

</pallas_src>

<mosaic_0001>
#map = affine_map<(d0, d1) -> (0)>
#map1 = affine_map<(d0, d1) -> (0, 0)>
#map2 = affine_map<(d0, d1) -> (0, 0, 0)>
module attributes {stable_mosaic.version = 14 : i64} {
  func.func @_deg_body(%arg0: i32, %arg1: i32, %arg2: memref<320000xi32, #tpu.memory_space<hbm>>, %arg3: memref<648x8xf32, #tpu.memory_space<hbm>>, %arg4: memref<128x8xf32, #tpu.memory_space<hbm>>, %arg5: memref<2x10000x8xf32, #tpu.memory_space<hbm>>, %arg6: memref<128x8xf32, #tpu.memory_space<vmem>>, %arg7: memref<10112xi32, #tpu.memory_space<vmem>>, %arg8: memref<10008x8xf32, #tpu.memory_space<vmem_shared>>, %arg9: memref<!tpu.dma_semaphore, #tpu.memory_space<semaphore_mem>>) attributes {dimension_semantics = [#tpu.dimension_semantics<core_parallel>, #tpu.dimension_semantics<subcore_parallel>], iteration_bounds = array<i64: 2, 16>, scalar_prefetch = 0 : i64, scratch_operands = 4 : i64, tpu.core_type = #tpu.core_type<sc_vector_subcore>, window_params = [{transform_indices = #map}, {transform_indices = #map1}, {transform_indices = #map1}, {transform_indices = #map2}]} {
    %mul3A = arith.constant 2 : i32
    %mul3A_0 = arith.muli %arg1, %mul3A : i32
    %add3A = arith.addi %mul3A_0, %arg0 : i32
    %lt3A = arith.constant 15 : i32
    %lt3A_1 = arith.cmpi slt, %arg1, %lt3A : i32
    %convert_element_type3A = arith.extui %lt3A_1 : i1 to i32
    %cond3A = arith.constant 0 : i32
    %cond3A_2 = arith.cmpi ne, %convert_element_type3A, %cond3A : i32
    scf.if %cond3A_2 {
      %mul3A_71 = arith.constant 624 : i32
      %mul3A_72 = arith.muli %arg1, %mul3A_71 : i32
      "tpu.region"() ({
        %run_scoped3A = tpu.sem_alloc : memref<!tpu.dma_semaphore, #tpu.memory_space<semaphore_mem>>
        %dma_start3A = arith.constant 0 : i32
        %dma_start3A_73 = tpu.memref_slice %arg8[%mul3A_72, %dma_start3A] : memref<10008x8xf32, #tpu.memory_space<vmem_shared>> -> memref<624x8xf32, #tpu.memory_space<vmem_shared>>
        %dma_start3A_74 = arith.constant 0 : i32
        %dma_start3A_75 = arith.constant 0 : i32
        %dma_start3A_76 = tpu.memref_slice %arg3[%dma_start3A_74, %dma_start3A_75] : memref<648x8xf32, #tpu.memory_space<hbm>> -> memref<624x8xf32, #tpu.memory_space<hbm>>
        tpu.enqueue_dma source(%dma_start3A_76 : memref<624x8xf32, #tpu.memory_space<hbm>>) target(%dma_start3A_73 : memref<624x8xf32, #tpu.memory_space<vmem_shared>>) target_semaphore(%run_scoped3A : memref<!tpu.dma_semaphore, #tpu.memory_space<semaphore_mem>>)
        %dma_wait3A = arith.constant 0 : i32
        %dma_wait3A_77 = tpu.memref_slice %arg8[%mul3A_72, %dma_wait3A] : memref<10008x8xf32, #tpu.memory_space<vmem_shared>> -> memref<624x8xf32, #tpu.memory_space<vmem_shared>>
        %dma_wait3A_78 = arith.constant 0 : i32
        %dma_wait3A_79 = arith.constant 0 : i32
        %dma_wait3A_80 = tpu.memref_slice %arg3[%dma_wait3A_78, %dma_wait3A_79] : memref<648x8xf32, #tpu.memory_space<hbm>> -> memref<624x8xf32, #tpu.memory_space<hbm>>
        tpu.wait_dma2 semaphore(%run_scoped3A : memref<!tpu.dma_semaphore, #tpu.memory_space<semaphore_mem>>) src(%dma_wait3A_80 : memref<624x8xf32, #tpu.memory_space<hbm>>) dst(%dma_wait3A_77 : memref<624x8xf32, #tpu.memory_space<vmem_shared>>)
        tpu.yield
      }) : () -> ()
    } else {
    }
    %eq3A = arith.constant 15 : i32
    %eq3A_3 = arith.cmpi eq, %arg1, %eq3A : i32
    %convert_element_type3A_4 = arith.extui %eq3A_3 : i1 to i32
    %cond3A_5 = arith.constant 0 : i32
    %cond3A_6 = arith.cmpi ne, %convert_element_type3A_4, %cond3A_5 : i32
    scf.if %cond3A_6 {
      "tpu.region"() ({
        %run_scoped3A = tpu.sem_alloc : memref<!tpu.dma_semaphore, #tpu.memory_space<semaphore_mem>>
        %dma_start3A = arith.constant 9360 : i32
        %dma_start3A_71 = arith.constant 0 : i32
        %dma_start3A_72 = tpu.memref_slice %arg8[%dma_start3A, %dma_start3A_71] : memref<10008x8xf32, #tpu.memory_space<vmem_shared>> -> memref<648x8xf32, #tpu.memory_space<vmem_shared>>
        tpu.enqueue_dma source(%arg3 : memref<648x8xf32, #tpu.memory_space<hbm>>) target(%dma_start3A_72 : memref<648x8xf32, #tpu.memory_space<vmem_shared>>) target_semaphore(%run_scoped3A : memref<!tpu.dma_semaphore, #tpu.memory_space<semaphore_mem>>)
        %dma_wait3A = arith.constant 9360 : i32
        %dma_wait3A_73 = arith.constant 0 : i32
        %dma_wait3A_74 = tpu.memref_slice %arg8[%dma_wait3A, %dma_wait3A_73] : memref<10008x8xf32, #tpu.memory_space<vmem_shared>> -> memref<648x8xf32, #tpu.memory_space<vmem_shared>>
        tpu.wait_dma2 semaphore(%run_scoped3A : memref<!tpu.dma_semaphore, #tpu.memory_space<semaphore_mem>>) src(%arg3 : memref<648x8xf32, #tpu.memory_space<hbm>>) dst(%dma_wait3A_74 : memref<648x8xf32, #tpu.memory_space<vmem_shared>>)
        tpu.yield
      }) : () -> ()
    } else {
    }
    "tpu.region"() ({
      %run_scoped3A = tpu.sem_alloc : memref<!tpu.dma_semaphore, #tpu.memory_space<semaphore_mem>>
      tpu.enqueue_dma source(%arg4 : memref<128x8xf32, #tpu.memory_space<hbm>>) target(%arg6 : memref<128x8xf32, #tpu.memory_space<vmem>>) target_semaphore(%run_scoped3A : memref<!tpu.dma_semaphore, #tpu.memory_space<semaphore_mem>>)
      tpu.wait_dma2 semaphore(%run_scoped3A : memref<!tpu.dma_semaphore, #tpu.memory_space<semaphore_mem>>) src(%arg4 : memref<128x8xf32, #tpu.memory_space<hbm>>) dst(%arg6 : memref<128x8xf32, #tpu.memory_space<vmem>>)
      tpu.yield
    }) : () -> ()
    %mul3A_7 = arith.constant 10000 : i32
    %mul3A_8 = arith.muli %add3A, %mul3A_7 : i32
    "tpu.region"() ({
      %run_scoped3A = tpu.sem_alloc : memref<!tpu.dma_semaphore, #tpu.memory_space<semaphore_mem>>
      %dma_start3A = arith.constant 0 : i32
      %dma_start3A_71 = tpu.memref_slice %arg7[%dma_start3A] : memref<10112xi32, #tpu.memory_space<vmem>> -> memref<10000xi32, #tpu.memory_space<vmem>>
      %dma_start3A_72 = tpu.memref_slice %arg2[%mul3A_8] : memref<320000xi32, #tpu.memory_space<hbm>> -> memref<10000xi32, #tpu.memory_space<hbm>>
      %dma_start3A_73 = arith.constant 0 : i32
      %dma_start3A_74 = tpu.memref_slice %arg7[%dma_start3A_73] : memref<10112xi32, #tpu.memory_space<vmem>> -> memref<10000xi32, #tpu.memory_space<vmem>>
      %dma_start3A_75 = tpu.memref_slice %arg2[%mul3A_8] : memref<320000xi32, #tpu.memory_space<hbm>> -> memref<10000xi32, #tpu.memory_space<hbm>>
      tpu.enqueue_dma source(%dma_start3A_75 : memref<10000xi32, #tpu.memory_space<hbm>>) target(%dma_start3A_74 : memref<10000xi32, #tpu.memory_space<vmem>>) target_semaphore(%run_scoped3A : memref<!tpu.dma_semaphore, #tpu.memory_space<semaphore_mem>>)
      %dma_wait3A = arith.constant 0 : i32
      %dma_wait3A_76 = tpu.memref_slice %arg7[%dma_wait3A] : memref<10112xi32, #tpu.memory_space<vmem>> -> memref<10000xi32, #tpu.memory_space<vmem>>
      %dma_wait3A_77 = tpu.memref_slice %arg2[%mul3A_8] : memref<320000xi32, #tpu.memory_space<hbm>> -> memref<10000xi32, #tpu.memory_space<hbm>>
      %dma_wait3A_78 = arith.constant 0 : i32
      %dma_wait3A_79 = tpu.memref_slice %arg7[%dma_wait3A_78] : memref<10112xi32, #tpu.memory_space<vmem>> -> memref<10000xi32, #tpu.memory_space<vmem>>
      %dma_wait3A_80 = tpu.memref_slice %arg2[%mul3A_8] : memref<320000xi32, #tpu.memory_space<hbm>> -> memref<10000xi32, #tpu.memory_space<hbm>>
      tpu.wait_dma2 semaphore(%run_scoped3A : memref<!tpu.dma_semaphore, #tpu.memory_space<semaphore_mem>>) src(%dma_wait3A_80 : memref<10000xi32, #tpu.memory_space<hbm>>) dst(%dma_wait3A_79 : memref<10000xi32, #tpu.memory_space<vmem>>)
      tpu.yield
    }) : () -> ()
    %broadcast_in_dim3A = arith.constant 10000 : i32
    %broadcast_in_dim3A_9 = vector.broadcast %broadcast_in_dim3A : i32 to vector<16xi32>
    %swap3A = arith.constant 10000 : index
    %swap3A_10 = tpu.vector_load %arg7[%swap3A] {strides = array<i32>} : memref<10112xi32, #tpu.memory_space<vmem>>, vector<16xi32>,
    %swap3A_11 = vector.shape_cast %swap3A_10 : vector<16xi32> to vector<16xi32>
    %swap3A_12 = vector.shape_cast %broadcast_in_dim3A_9 : vector<16xi32> to vector<16xi32>
    tpu.vector_store %arg7[%swap3A], %swap3A_12 {strides = array<i32>} : memref<10112xi32, #tpu.memory_space<vmem>>, vector<16xi32>,
    %broadcast_in_dim3A_13 = arith.constant 10000 : i32
    %broadcast_in_dim3A_14 = vector.broadcast %broadcast_in_dim3A_13 : i32 to vector<16xi32>
    %swap3A_15 = arith.constant 10016 : index
    %swap3A_16 = tpu.vector_load %arg7[%swap3A_15] {strides = array<i32>} : memref<10112xi32, #tpu.memory_space<vmem>>, vector<16xi32>,
    %swap3A_17 = vector.shape_cast %swap3A_16 : vector<16xi32> to vector<16xi32>
    %swap3A_18 = vector.shape_cast %broadcast_in_dim3A_14 : vector<16xi32> to vector<16xi32>
    tpu.vector_store %arg7[%swap3A_15], %swap3A_18 {strides = array<i32>} : memref<10112xi32, #tpu.memory_space<vmem>>, vector<16xi32>,
    %broadcast_in_dim3A_19 = arith.constant 10000 : i32
    %broadcast_in_dim3A_20 = vector.broadcast %broadcast_in_dim3A_19 : i32 to vector<16xi32>
    %swap3A_21 = arith.constant 10032 : index
    %swap3A_22 = tpu.vector_load %arg7[%swap3A_21] {strides = array<i32>} : memref<10112xi32, #tpu.memory_space<vmem>>, vector<16xi32>,
    %swap3A_23 = vector.shape_cast %swap3A_22 : vector<16xi32> to vector<16xi32>
    %swap3A_24 = vector.shape_cast %broadcast_in_dim3A_20 : vector<16xi32> to vector<16xi32>
    tpu.vector_store %arg7[%swap3A_21], %swap3A_24 {strides = array<i32>} : memref<10112xi32, #tpu.memory_space<vmem>>, vector<16xi32>,
    %broadcast_in_dim3A_25 = arith.constant 10000 : i32
    %broadcast_in_dim3A_26 = vector.broadcast %broadcast_in_dim3A_25 : i32 to vector<16xi32>
    %swap3A_27 = arith.constant 10048 : index
    %swap3A_28 = tpu.vector_load %arg7[%swap3A_27] {strides = array<i32>} : memref<10112xi32, #tpu.memory_space<vmem>>, vector<16xi32>,
    %swap3A_29 = vector.shape_cast %swap3A_28 : vector<16xi32> to vector<16xi32>
    %swap3A_30 = vector.shape_cast %broadcast_in_dim3A_26 : vector<16xi32> to vector<16xi32>
    tpu.vector_store %arg7[%swap3A_27], %swap3A_30 {strides = array<i32>} : memref<10112xi32, #tpu.memory_space<vmem>>, vector<16xi32>,
    %broadcast_in_dim3A_31 = arith.constant 10000 : i32
    %broadcast_in_dim3A_32 = vector.broadcast %broadcast_in_dim3A_31 : i32 to vector<16xi32>
    %swap3A_33 = arith.constant 10064 : index
    %swap3A_34 = tpu.vector_load %arg7[%swap3A_33] {strides = array<i32>} : memref<10112xi32, #tpu.memory_space<vmem>>, vector<16xi32>,
    %swap3A_35 = vector.shape_cast %swap3A_34 : vector<16xi32> to vector<16xi32>
    %swap3A_36 = vector.shape_cast %broadcast_in_dim3A_32 : vector<16xi32> to vector<16xi32>
    tpu.vector_store %arg7[%swap3A_33], %swap3A_36 {strides = array<i32>} : memref<10112xi32, #tpu.memory_space<vmem>>, vector<16xi32>,
    %broadcast_in_dim3A_37 = arith.constant 10000 : i32
    %broadcast_in_dim3A_38 = vector.broadcast %broadcast_in_dim3A_37 : i32 to vector<16xi32>
    %swap3A_39 = arith.constant 10080 : index
    %swap3A_40 = tpu.vector_load %arg7[%swap3A_39] {strides = array<i32>} : memref<10112xi32, #tpu.memory_space<vmem>>, vector<16xi32>,
    %swap3A_41 = vector.shape_cast %swap3A_40 : vector<16xi32> to vector<16xi32>
    %swap3A_42 = vector.shape_cast %broadcast_in_dim3A_38 : vector<16xi32> to vector<16xi32>
    tpu.vector_store %arg7[%swap3A_39], %swap3A_42 {strides = array<i32>} : memref<10112xi32, #tpu.memory_space<vmem>>, vector<16xi32>,
    %broadcast_in_dim3A_43 = arith.constant 10000 : i32
    %broadcast_in_dim3A_44 = vector.broadcast %broadcast_in_dim3A_43 : i32 to vector<16xi32>
    %swap3A_45 = arith.constant 10096 : index
    %swap3A_46 = tpu.vector_load %arg7[%swap3A_45] {strides = array<i32>} : memref<10112xi32, #tpu.memory_space<vmem>>, vector<16xi32>,
    %swap3A_47 = vector.shape_cast %swap3A_46 : vector<16xi32> to vector<16xi32>
    %swap3A_48 = vector.shape_cast %broadcast_in_dim3A_44 : vector<16xi32> to vector<16xi32>
    tpu.vector_store %arg7[%swap3A_45], %swap3A_48 {strides = array<i32>} : memref<10112xi32, #tpu.memory_space<vmem>>, vector<16xi32>,
    %barrier3A = arith.constant 0 : index
    tpu.barrier barrier_id(%barrier3A)
    %scan3A = arith.constant 0 : i32
    %scan3A_49 = arith.constant 0 : i32
    %scan3A_50 = arith.constant 79 : i32
    %scan3A_51 = arith.addi %scan3A_49, %scan3A_50 : i32
    %scan3A_52 = arith.constant 1 : i32
    scf.for %scan3A_71 = %scan3A_49 to %scan3A_51 step %scan3A_52  : i32 {
      %mul3A_72 = arith.constant 128 : i32
      %mul3A_73 = arith.muli %scan3A_71, %mul3A_72 : i32
      %dma_start3A = tpu.memref_slice %arg7[%mul3A_73] : memref<10112xi32, #tpu.memory_space<vmem>> -> memref<128xi32, #tpu.memory_space<vmem>>
      %dma_start3A_74 = arith.constant 0 : i32
      %dma_start3A_75 = arith.constant 0 : i32
      %dma_start3A_76 = tpu.memref_slice %arg8[%dma_start3A_74, %dma_start3A_75] : memref<10008x8xf32, #tpu.memory_space<vmem_shared>> -> memref<10008x8xf32, #tpu.memory_space<vmem_shared>>
      tpu.enqueue_indirect_dma source(%arg6 : memref<128x8xf32, #tpu.memory_space<vmem>>) target(%dma_start3A_76 : memref<10008x8xf32, #tpu.memory_space<vmem_shared>>) offsets(%dma_start3A : memref<128xi32, #tpu.memory_space<vmem>>) semaphore(%arg9 : memref<!tpu.dma_semaphore, #tpu.memory_space<semaphore_mem>>) {add = true}
      %ge3A = arith.constant 8 : i32
      %ge3A_77 = arith.cmpi sge, %scan3A_71, %ge3A : i32
      %convert_element_type3A_78 = arith.extui %ge3A_77 : i1 to i32
      %cond3A_79 = arith.constant 0 : i32
      %cond3A_80 = arith.cmpi ne, %convert_element_type3A_78, %cond3A_79 : i32
      scf.if %cond3A_80 {
        %mul3A_81 = arith.constant 128 : i32
        %mul3A_82 = arith.muli %scan3A_71, %mul3A_81 : i32
        %dma_wait3A = tpu.memref_slice %arg7[%mul3A_82] : memref<10112xi32, #tpu.memory_space<vmem>> -> memref<128xi32, #tpu.memory_space<vmem>>
        %dma_wait3A_83 = arith.constant 0 : i32
        %dma_wait3A_84 = arith.constant 0 : i32
        %dma_wait3A_85 = tpu.memref_slice %arg8[%dma_wait3A_83, %dma_wait3A_84] : memref<10008x8xf32, #tpu.memory_space<vmem_shared>> -> memref<10008x8xf32, #tpu.memory_space<vmem_shared>>
        tpu.wait_indirect_dma semaphore(%arg9 : memref<!tpu.dma_semaphore, #tpu.memory_space<semaphore_mem>>) src(%arg6 : memref<128x8xf32, #tpu.memory_space<vmem>>) dst(%dma_wait3A_85 : memref<10008x8xf32, #tpu.memory_space<vmem_shared>>)
      } else {
      }
    }
    %scan3A_53 = arith.constant 79 : i32
    %scan3A_54 = arith.constant 0 : i32
    %scan3A_55 = arith.constant 0 : i32
    %scan3A_56 = arith.constant 8 : i32
    %scan3A_57 = arith.addi %scan3A_55, %scan3A_56 : i32
    %scan3A_58 = arith.constant 1 : i32
    scf.for %scan3A_71 = %scan3A_55 to %scan3A_57 step %scan3A_58  : i32 {
      %mul3A_72 = arith.constant 128 : i32
      %mul3A_73 = arith.muli %scan3A_71, %mul3A_72 : i32
      %dma_wait3A = tpu.memref_slice %arg7[%mul3A_73] : memref<10112xi32, #tpu.memory_space<vmem>> -> memref<128xi32, #tpu.memory_space<vmem>>
      %dma_wait3A_74 = arith.constant 0 : i32
      %dma_wait3A_75 = arith.constant 0 : i32
      %dma_wait3A_76 = tpu.memref_slice %arg8[%dma_wait3A_74, %dma_wait3A_75] : memref<10008x8xf32, #tpu.memory_space<vmem_shared>> -> memref<10008x8xf32, #tpu.memory_space<vmem_shared>>
      tpu.wait_indirect_dma semaphore(%arg9 : memref<!tpu.dma_semaphore, #tpu.memory_space<semaphore_mem>>) src(%arg6 : memref<128x8xf32, #tpu.memory_space<vmem>>) dst(%dma_wait3A_76 : memref<10008x8xf32, #tpu.memory_space<vmem_shared>>)
    }
    %scan3A_59 = arith.constant 8 : i32
    %barrier3A_60 = arith.constant 0 : index
    tpu.barrier barrier_id(%barrier3A_60)
    %lt3A_61 = arith.constant 15 : i32
    %lt3A_62 = arith.cmpi slt, %arg1, %lt3A_61 : i32
    %convert_element_type3A_63 = arith.extui %lt3A_62 : i1 to i32
    %cond3A_64 = arith.constant 0 : i32
    %cond3A_65 = arith.cmpi ne, %convert_element_type3A_63, %cond3A_64 : i32
    scf.if %cond3A_65 {
      %mul3A_71 = arith.constant 624 : i32
      %mul3A_72 = arith.muli %arg1, %mul3A_71 : i32
      %mul3A_73 = arith.constant 624 : i32
      %mul3A_74 = arith.muli %arg1, %mul3A_73 : i32
      "tpu.region"() ({
        %run_scoped3A = tpu.sem_alloc : memref<!tpu.dma_semaphore, #tpu.memory_space<semaphore_mem>>
        %dma_start3A = arith.constant 0 : i32
        %dma_start3A_75 = tpu.memref_slice %arg5[%arg0, %mul3A_74, %dma_start3A] : memref<2x10000x8xf32, #tpu.memory_space<hbm>> -> memref<1x624x8xf32, #tpu.memory_space<hbm>>
        %dma_start3A_76 = tpu.memref_squeeze %dma_start3A_75 : memref<1x624x8xf32, #tpu.memory_space<hbm>> -> memref<624x8xf32, #tpu.memory_space<hbm>>
        %dma_start3A_77 = arith.constant 0 : i32
        %dma_start3A_78 = tpu.memref_slice %arg8[%mul3A_72, %dma_start3A_77] : memref<10008x8xf32, #tpu.memory_space<vmem_shared>> -> memref<624x8xf32, #tpu.memory_space<vmem_shared>>
        tpu.enqueue_dma source(%dma_start3A_78 : memref<624x8xf32, #tpu.memory_space<vmem_shared>>) target(%dma_start3A_76 : memref<624x8xf32, #tpu.memory_space<hbm>>) target_semaphore(%run_scoped3A : memref<!tpu.dma_semaphore, #tpu.memory_space<semaphore_mem>>)
        %dma_wait3A = arith.constant 0 : i32
        %dma_wait3A_79 = tpu.memref_slice %arg5[%arg0, %mul3A_74, %dma_wait3A] : memref<2x10000x8xf32, #tpu.memory_space<hbm>> -> memref<1x624x8xf32, #tpu.memory_space<hbm>>
        %dma_wait3A_80 = tpu.memref_squeeze %dma_wait3A_79 : memref<1x624x8xf32, #tpu.memory_space<hbm>> -> memref<624x8xf32, #tpu.memory_space<hbm>>
        %dma_wait3A_81 = arith.constant 0 : i32
        %dma_wait3A_82 = tpu.memref_slice %arg8[%mul3A_72, %dma_wait3A_81] : memref<10008x8xf32, #tpu.memory_space<vmem_shared>> -> memref<624x8xf32, #tpu.memory_space<vmem_shared>>
        tpu.wait_dma2 semaphore(%run_scoped3A : memref<!tpu.dma_semaphore, #tpu.memory_space<semaphore_mem>>) src(%dma_wait3A_82 : memref<624x8xf32, #tpu.memory_space<vmem_shared>>) dst(%dma_wait3A_80 : memref<624x8xf32, #tpu.memory_space<hbm>>)
        tpu.yield
      }) : () -> ()
    } else {
    }
    %eq3A_66 = arith.constant 15 : i32
    %eq3A_67 = arith.cmpi eq, %arg1, %eq3A_66 : i32
    %convert_element_type3A_68 = arith.extui %eq3A_67 : i1 to i32
    %cond3A_69 = arith.constant 0 : i32
    %cond3A_70 = arith.cmpi ne, %convert_element_type3A_68, %cond3A_69 : i32
    scf.if %cond3A_70 {
      "tpu.region"() ({
        %run_scoped3A = tpu.sem_alloc : memref<!tpu.dma_semaphore, #tpu.memory_space<semaphore_mem>>
        %dma_start3A = arith.constant 9360 : i32
        %dma_start3A_71 = arith.constant 0 : i32
        %dma_start3A_72 = tpu.memref_slice %arg5[%arg0, %dma_start3A, %dma_start3A_71] : memref<2x10000x8xf32, #tpu.memory_space<hbm>> -> memref<1x640x8xf32, #tpu.memory_space<hbm>>
        %dma_start3A_73 = tpu.memref_squeeze %dma_start3A_72 : memref<1x640x8xf32, #tpu.memory_space<hbm>> -> memref<640x8xf32, #tpu.memory_space<hbm>>
        %dma_start3A_74 = arith.constant 9360 : i32
        %dma_start3A_75 = arith.constant 0 : i32
        %dma_start3A_76 = tpu.memref_slice %arg8[%dma_start3A_74, %dma_start3A_75] : memref<10008x8xf32, #tpu.memory_space<vmem_shared>> -> memref<640x8xf32, #tpu.memory_space<vmem_shared>>
        tpu.enqueue_dma source(%dma_start3A_76 : memref<640x8xf32, #tpu.memory_space<vmem_shared>>) target(%dma_start3A_73 : memref<640x8xf32, #tpu.memory_space<hbm>>) target_semaphore(%run_scoped3A : memref<!tpu.dma_semaphore, #tpu.memory_space<semaphore_mem>>)
        %dma_wait3A = arith.constant 9360 : i32
        %dma_wait3A_77 = arith.constant 0 : i32
        %dma_wait3A_78 = tpu.memref_slice %arg5[%arg0, %dma_wait3A, %dma_wait3A_77] : memref<2x10000x8xf32, #tpu.memory_space<hbm>> -> memref<1x640x8xf32, #tpu.memory_space<hbm>>
        %dma_wait3A_79 = tpu.memref_squeeze %dma_wait3A_78 : memref<1x640x8xf32, #tpu.memory_space<hbm>> -> memref<640x8xf32, #tpu.memory_space<hbm>>
        %dma_wait3A_80 = arith.constant 9360 : i32
        %dma_wait3A_81 = arith.constant 0 : i32
        %dma_wait3A_82 = tpu.memref_slice %arg8[%dma_wait3A_80, %dma_wait3A_81] : memref<10008x8xf32, #tpu.memory_space<vmem_shared>> -> memref<640x8xf32, #tpu.memory_space<vmem_shared>>
        tpu.wait_dma2 semaphore(%run_scoped3A : memref<!tpu.dma_semaphore, #tpu.memory_space<semaphore_mem>>) src(%dma_wait3A_82 : memref<640x8xf32, #tpu.memory_space<vmem_shared>>) dst(%dma_wait3A_79 : memref<640x8xf32, #tpu.memory_space<hbm>>)
        tpu.yield
      }) : () -> ()
    } else {
    }
    return
  }
}

#map = affine_map<(d0, d1) -> (0)>
#map1 = affine_map<(d0, d1) -> (0, 0)>
#map2 = affine_map<(d0, d1) -> (0, 0, 0)>
module attributes {stable_mosaic.version = 14 : i64} {
  func.func @_msg_body(%arg0: i32, %arg1: i32, %arg2: memref<320000xi32, #tpu.memory_space<hbm>>, %arg3: memref<320000xi32, #tpu.memory_space<hbm>>, %arg4: memref<10000x128xf32, #tpu.memory_space<hbm>>, %arg5: memref<640x128xf32, #tpu.memory_space<hbm>>, %arg6: memref<2x10000x128xf32, #tpu.memory_space<hbm>>, %arg7: memref<10000xi32, #tpu.memory_space<vmem>>, %arg8: memref<10000xi32, #tpu.memory_space<vmem>>, %arg9: memref<5x40x128xf32, #tpu.memory_space<vmem>>, %arg10: memref<10000x128xf32, #tpu.memory_space<vmem_shared>>, %arg11: memref<!tpu.dma_semaphore, #tpu.memory_space<semaphore_mem>>, %arg12: memref<!tpu.dma_semaphore, #tpu.memory_space<semaphore_mem>>, %arg13: memref<!tpu.dma_semaphore, #tpu.memory_space<semaphore_mem>>, %arg14: memref<!tpu.dma_semaphore, #tpu.memory_space<semaphore_mem>>, %arg15: memref<!tpu.dma_semaphore, #tpu.memory_space<semaphore_mem>>, %arg16: memref<!tpu.dma_semaphore, #tpu.memory_space<semaphore_mem>>, %arg17: memref<!tpu.dma_semaphore, #tpu.memory_space<semaphore_mem>>, %arg18: memref<!tpu.dma_semaphore, #tpu.memory_space<semaphore_mem>>, %arg19: memref<!tpu.dma_semaphore, #tpu.memory_space<semaphore_mem>>, %arg20: memref<!tpu.dma_semaphore, #tpu.memory_space<semaphore_mem>>) attributes {dimension_semantics = [#tpu.dimension_semantics<core_parallel>, #tpu.dimension_semantics<subcore_parallel>], iteration_bounds = array<i64: 2, 16>, scalar_prefetch = 0 : i64, scratch_operands = 14 : i64, tpu.core_type = #tpu.core_type<sc_vector_subcore>, window_params = [{transform_indices = #map}, {transform_indices = #map}, {transform_indices = #map1}, {transform_indices = #map1}, {transform_indices = #map2}]} {
    %mul3A = arith.constant 2 : i32
    %mul3A_0 = arith.muli %arg1, %mul3A : i32
    %add3A = arith.addi %mul3A_0, %arg0 : i32
    %lt3A = arith.constant 15 : i32
    %lt3A_1 = arith.cmpi slt, %arg1, %lt3A : i32
    %convert_element_type3A = arith.extui %lt3A_1 : i1 to i32
    %cond3A = arith.constant 0 : i32
    %cond3A_2 = arith.cmpi ne, %convert_element_type3A, %cond3A : i32
    scf.if %cond3A_2 {
      %mul3A_90 = arith.constant 624 : i32
      %mul3A_91 = arith.muli %arg1, %mul3A_90 : i32
      %dma_start3A_92 = arith.constant 0 : i32
      %dma_start3A_93 = tpu.memref_slice %arg10[%mul3A_91, %dma_start3A_92] : memref<10000x128xf32, #tpu.memory_space<vmem_shared>> -> memref<624x128xf32, #tpu.memory_space<vmem_shared>>
      %dma_start3A_94 = arith.constant 0 : i32
      %dma_start3A_95 = arith.constant 0 : i32
      %dma_start3A_96 = tpu.memref_slice %arg5[%dma_start3A_94, %dma_start3A_95] : memref<640x128xf32, #tpu.memory_space<hbm>> -> memref<624x128xf32, #tpu.memory_space<hbm>>
      tpu.enqueue_dma source(%dma_start3A_96 : memref<624x128xf32, #tpu.memory_space<hbm>>) target(%dma_start3A_93 : memref<624x128xf32, #tpu.memory_space<vmem_shared>>) target_semaphore(%arg11 : memref<!tpu.dma_semaphore, #tpu.memory_space<semaphore_mem>>)
    } else {
    }
    %eq3A = arith.constant 15 : i32
    %eq3A_3 = arith.cmpi eq, %arg1, %eq3A : i32
    %convert_element_type3A_4 = arith.extui %eq3A_3 : i1 to i32
    %cond3A_5 = arith.constant 0 : i32
    %cond3A_6 = arith.cmpi ne, %convert_element_type3A_4, %cond3A_5 : i32
    scf.if %cond3A_6 {
      %dma_start3A_90 = arith.constant 9360 : i32
      %dma_start3A_91 = arith.constant 0 : i32
      %dma_start3A_92 = tpu.memref_slice %arg10[%dma_start3A_90, %dma_start3A_91] : memref<10000x128xf32, #tpu.memory_space<vmem_shared>> -> memref<624x128xf32, #tpu.memory_space<vmem_shared>>
      %dma_start3A_93 = arith.constant 0 : i32
      %dma_start3A_94 = arith.constant 0 : i32
      %dma_start3A_95 = tpu.memref_slice %arg5[%dma_start3A_93, %dma_start3A_94] : memref<640x128xf32, #tpu.memory_space<hbm>> -> memref<624x128xf32, #tpu.memory_space<hbm>>
      tpu.enqueue_dma source(%dma_start3A_95 : memref<624x128xf32, #tpu.memory_space<hbm>>) target(%dma_start3A_92 : memref<624x128xf32, #tpu.memory_space<vmem_shared>>) target_semaphore(%arg11 : memref<!tpu.dma_semaphore, #tpu.memory_space<semaphore_mem>>)
      %dma_start3A_96 = arith.constant 9984 : i32
      %dma_start3A_97 = arith.constant 0 : i32
      %dma_start3A_98 = tpu.memref_slice %arg10[%dma_start3A_96, %dma_start3A_97] : memref<10000x128xf32, #tpu.memory_space<vmem_shared>> -> memref<16x128xf32, #tpu.memory_space<vmem_shared>>
      %dma_start3A_99 = arith.constant 624 : i32
      %dma_start3A_100 = arith.constant 0 : i32
      %dma_start3A_101 = tpu.memref_slice %arg5[%dma_start3A_99, %dma_start3A_100] : memref<640x128xf32, #tpu.memory_space<hbm>> -> memref<16x128xf32, #tpu.memory_space<hbm>>
      tpu.enqueue_dma source(%dma_start3A_101 : memref<16x128xf32, #tpu.memory_space<hbm>>) target(%dma_start3A_98 : memref<16x128xf32, #tpu.memory_space<vmem_shared>>) target_semaphore(%arg16 : memref<!tpu.dma_semaphore, #tpu.memory_space<semaphore_mem>>)
      %dma_wait3A_102 = arith.constant 9984 : i32
      %dma_wait3A_103 = arith.constant 0 : i32
      %dma_wait3A_104 = tpu.memref_slice %arg10[%dma_wait3A_102, %dma_wait3A_103] : memref<10000x128xf32, #tpu.memory_space<vmem_shared>> -> memref<16x128xf32, #tpu.memory_space<vmem_shared>>
      %dma_wait3A_105 = arith.constant 624 : i32
      %dma_wait3A_106 = arith.constant 0 : i32
      %dma_wait3A_107 = tpu.memref_slice %arg5[%dma_wait3A_105, %dma_wait3A_106] : memref<640x128xf32, #tpu.memory_space<hbm>> -> memref<16x128xf32, #tpu.memory_space<hbm>>
      tpu.wait_dma2 semaphore(%arg16 : memref<!tpu.dma_semaphore, #tpu.memory_space<semaphore_mem>>) src(%dma_wait3A_107 : memref<16x128xf32, #tpu.memory_space<hbm>>) dst(%dma_wait3A_104 : memref<16x128xf32, #tpu.memory_space<vmem_shared>>)
    } else {
    }
    %mul3A_7 = arith.constant 10000 : i32
    %mul3A_8 = arith.muli %add3A, %mul3A_7 : i32
    %dma_start3A = tpu.memref_slice %arg2[%mul3A_8] : memref<320000xi32, #tpu.memory_space<hbm>> -> memref<10000xi32, #tpu.memory_space<hbm>>
    %dma_start3A_9 = tpu.memref_slice %arg2[%mul3A_8] : memref<320000xi32, #tpu.memory_space<hbm>> -> memref<10000xi32, #tpu.memory_space<hbm>>
    tpu.enqueue_dma source(%dma_start3A_9 : memref<10000xi32, #tpu.memory_space<hbm>>) target(%arg7 : memref<10000xi32, #tpu.memory_space<vmem>>) target_semaphore(%arg12 : memref<!tpu.dma_semaphore, #tpu.memory_space<semaphore_mem>>)
    %mul3A_10 = arith.constant 10000 : i32
    %mul3A_11 = arith.muli %add3A, %mul3A_10 : i32
    %dma_start3A_12 = tpu.memref_slice %arg3[%mul3A_11] : memref<320000xi32, #tpu.memory_space<hbm>> -> memref<10000xi32, #tpu.memory_space<hbm>>
    %dma_start3A_13 = tpu.memref_slice %arg3[%mul3A_11] : memref<320000xi32, #tpu.memory_space<hbm>> -> memref<10000xi32, #tpu.memory_space<hbm>>
    tpu.enqueue_dma source(%dma_start3A_13 : memref<10000xi32, #tpu.memory_space<hbm>>) target(%arg8 : memref<10000xi32, #tpu.memory_space<vmem>>) target_semaphore(%arg13 : memref<!tpu.dma_semaphore, #tpu.memory_space<semaphore_mem>>)
    %mul3A_14 = arith.constant 624 : i32
    %mul3A_15 = arith.muli %arg1, %mul3A_14 : i32
    %dma_wait3A = arith.constant 0 : i32
    %dma_wait3A_16 = tpu.memref_slice %arg10[%mul3A_15, %dma_wait3A] : memref<10000x128xf32, #tpu.memory_space<vmem_shared>> -> memref<624x128xf32, #tpu.memory_space<vmem_shared>>
    %dma_wait3A_17 = arith.constant 0 : i32
    %dma_wait3A_18 = arith.constant 0 : i32
    %dma_wait3A_19 = tpu.memref_slice %arg5[%dma_wait3A_17, %dma_wait3A_18] : memref<640x128xf32, #tpu.memory_space<hbm>> -> memref<624x128xf32, #tpu.memory_space<hbm>>
    tpu.wait_dma2 semaphore(%arg11 : memref<!tpu.dma_semaphore, #tpu.memory_space<semaphore_mem>>) src(%dma_wait3A_19 : memref<624x128xf32, #tpu.memory_space<hbm>>) dst(%dma_wait3A_16 : memref<624x128xf32, #tpu.memory_space<vmem_shared>>)
    %dma_wait3A_20 = tpu.memref_slice %arg2[%mul3A_8] : memref<320000xi32, #tpu.memory_space<hbm>> -> memref<10000xi32, #tpu.memory_space<hbm>>
    %dma_wait3A_21 = tpu.memref_slice %arg2[%mul3A_8] : memref<320000xi32, #tpu.memory_space<hbm>> -> memref<10000xi32, #tpu.memory_space<hbm>>
    tpu.wait_dma2 semaphore(%arg12 : memref<!tpu.dma_semaphore, #tpu.memory_space<semaphore_mem>>) src(%dma_wait3A_21 : memref<10000xi32, #tpu.memory_space<hbm>>) dst(%arg7 : memref<10000xi32, #tpu.memory_space<vmem>>)
    %dma_wait3A_22 = tpu.memref_slice %arg3[%mul3A_11] : memref<320000xi32, #tpu.memory_space<hbm>> -> memref<10000xi32, #tpu.memory_space<hbm>>
    %dma_wait3A_23 = tpu.memref_slice %arg3[%mul3A_11] : memref<320000xi32, #tpu.memory_space<hbm>> -> memref<10000xi32, #tpu.memory_space<hbm>>
    tpu.wait_dma2 semaphore(%arg13 : memref<!tpu.dma_semaphore, #tpu.memory_space<semaphore_mem>>) src(%dma_wait3A_23 : memref<10000xi32, #tpu.memory_space<hbm>>) dst(%arg8 : memref<10000xi32, #tpu.memory_space<vmem>>)
    %barrier3A = arith.constant 0 : index
    tpu.barrier barrier_id(%barrier3A)
    %dma_start3A_24 = arith.constant 0 : i32
    %dma_start3A_25 = arith.constant 0 : i32
    %dma_start3A_26 = arith.constant 0 : i32
    %dma_start3A_27 = tpu.memref_slice %arg9[%dma_start3A_24, %dma_start3A_25, %dma_start3A_26] : memref<5x40x128xf32, #tpu.memory_space<vmem>> -> memref<1x40x128xf32, #tpu.memory_space<vmem>>
    %dma_start3A_28 = tpu.memref_squeeze %dma_start3A_27 : memref<1x40x128xf32, #tpu.memory_space<vmem>> -> memref<40x128xf32, #tpu.memory_space<vmem>>
    %dma_start3A_29 = arith.constant 0 : i32
    %dma_start3A_30 = tpu.memref_slice %arg7[%dma_start3A_29] : memref<10000xi32, #tpu.memory_space<vmem>> -> memref<40xi32, #tpu.memory_space<vmem>>
    %dma_start3A_31 = arith.constant 0 : i32
    %dma_start3A_32 = arith.constant 0 : i32
    %dma_start3A_33 = tpu.memref_slice %arg4[%dma_start3A_31, %dma_start3A_32] : memref<10000x128xf32, #tpu.memory_space<hbm>> -> memref<10000x128xf32, #tpu.memory_space<hbm>>
    tpu.enqueue_indirect_dma source(%dma_start3A_33 : memref<10000x128xf32, #tpu.memory_space<hbm>>) target(%dma_start3A_28 : memref<40x128xf32, #tpu.memory_space<vmem>>) offsets(%dma_start3A_30 : memref<40xi32, #tpu.memory_space<vmem>>) semaphore(%arg11 : memref<!tpu.dma_semaphore, #tpu.memory_space<semaphore_mem>>)
    %dma_start3A_34 = arith.constant 1 : i32
    %dma_start3A_35 = arith.constant 0 : i32
    %dma_start3A_36 = arith.constant 0 : i32
    %dma_start3A_37 = tpu.memref_slice %arg9[%dma_start3A_34, %dma_start3A_35, %dma_start3A_36] : memref<5x40x128xf32, #tpu.memory_space<vmem>> -> memref<1x40x128xf32, #tpu.memory_space<vmem>>
    %dma_start3A_38 = tpu.memref_squeeze %dma_start3A_37 : memref<1x40x128xf32, #tpu.memory_space<vmem>> -> memref<40x128xf32, #tpu.memory_space<vmem>>
    %dma_start3A_39 = arith.constant 40 : i32
    %dma_start3A_40 = tpu.memref_slice %arg7[%dma_start3A_39] : memref<10000xi32, #tpu.memory_space<vmem>> -> memref<40xi32, #tpu.memory_space<vmem>>
    %dma_start3A_41 = arith.constant 0 : i32
    %dma_start3A_42 = arith.constant 0 : i32
    %dma_start3A_43 = tpu.memref_slice %arg4[%dma_start3A_41, %dma_start3A_42] : memref<10000x128xf32, #tpu.memory_space<hbm>> -> memref<10000x128xf32, #tpu.memory_space<hbm>>
    tpu.enqueue_indirect_dma source(%dma_start3A_43 : memref<10000x128xf32, #tpu.memory_space<hbm>>) target(%dma_start3A_38 : memref<40x128xf32, #tpu.memory_space<vmem>>) offsets(%dma_start3A_40 : memref<40xi32, #tpu.memory_space<vmem>>) semaphore(%arg12 : memref<!tpu.dma_semaphore, #tpu.memory_space<semaphore_mem>>)
    %dma_start3A_44 = arith.constant 2 : i32
    %dma_start3A_45 = arith.constant 0 : i32
    %dma_start3A_46 = arith.constant 0 : i32
    %dma_start3A_47 = tpu.memref_slice %arg9[%dma_start3A_44, %dma_start3A_45, %dma_start3A_46] : memref<5x40x128xf32, #tpu.memory_space<vmem>> -> memref<1x40x128xf32, #tpu.memory_space<vmem>>
    %dma_start3A_48 = tpu.memref_squeeze %dma_start3A_47 : memref<1x40x128xf32, #tpu.memory_space<vmem>> -> memref<40x128xf32, #tpu.memory_space<vmem>>
    %dma_start3A_49 = arith.constant 80 : i32
    %dma_start3A_50 = tpu.memref_slice %arg7[%dma_start3A_49] : memref<10000xi32, #tpu.memory_space<vmem>> -> memref<40xi32, #tpu.memory_space<vmem>>
    %dma_start3A_51 = arith.constant 0 : i32
    %dma_start3A_52 = arith.constant 0 : i32
    %dma_start3A_53 = tpu.memref_slice %arg4[%dma_start3A_51, %dma_start3A_52] : memref<10000x128xf32, #tpu.memory_space<hbm>> -> memref<10000x128xf32, #tpu.memory_space<hbm>>
    tpu.enqueue_indirect_dma source(%dma_start3A_53 : memref<10000x128xf32, #tpu.memory_space<hbm>>) target(%dma_start3A_48 : memref<40x128xf32, #tpu.memory_space<vmem>>) offsets(%dma_start3A_50 : memref<40xi32, #tpu.memory_space<vmem>>) semaphore(%arg13 : memref<!tpu.dma_semaphore, #tpu.memory_space<semaphore_mem>>)
    %dma_start3A_54 = arith.constant 3 : i32
    %dma_start3A_55 = arith.constant 0 : i32
    %dma_start3A_56 = arith.constant 0 : i32
    %dma_start3A_57 = tpu.memref_slice %arg9[%dma_start3A_54, %dma_start3A_55, %dma_start3A_56] : memref<5x40x128xf32, #tpu.memory_space<vmem>> -> memref<1x40x128xf32, #tpu.memory_space<vmem>>
    %dma_start3A_58 = tpu.memref_squeeze %dma_start3A_57 : memref<1x40x128xf32, #tpu.memory_space<vmem>> -> memref<40x128xf32, #tpu.memory_space<vmem>>
    %dma_start3A_59 = arith.constant 120 : i32
    %dma_start3A_60 = tpu.memref_slice %arg7[%dma_start3A_59] : memref<10000xi32, #tpu.memory_space<vmem>> -> memref<40xi32, #tpu.memory_space<vmem>>
    %dma_start3A_61 = arith.constant 0 : i32
    %dma_start3A_62 = arith.constant 0 : i32
    %dma_start3A_63 = tpu.memref_slice %arg4[%dma_start3A_61, %dma_start3A_62] : memref<10000x128xf32, #tpu.memory_space<hbm>> -> memref<10000x128xf32, #tpu.memory_space<hbm>>
    tpu.enqueue_indirect_dma source(%dma_start3A_63 : memref<10000x128xf32, #tpu.memory_space<hbm>>) target(%dma_start3A_58 : memref<40x128xf32, #tpu.memory_space<vmem>>) offsets(%dma_start3A_60 : memref<40xi32, #tpu.memory_space<vmem>>) semaphore(%arg14 : memref<!tpu.dma_semaphore, #tpu.memory_space<semaphore_mem>>)
    %dma_start3A_64 = arith.constant 4 : i32
    %dma_start3A_65 = arith.constant 0 : i32
    %dma_start3A_66 = arith.constant 0 : i32
    %dma_start3A_67 = tpu.memref_slice %arg9[%dma_start3A_64, %dma_start3A_65, %dma_start3A_66] : memref<5x40x128xf32, #tpu.memory_space<vmem>> -> memref<1x40x128xf32, #tpu.memory_space<vmem>>
    %dma_start3A_68 = tpu.memref_squeeze %dma_start3A_67 : memref<1x40x128xf32, #tpu.memory_space<vmem>> -> memref<40x128xf32, #tpu.memory_space<vmem>>
    %dma_start3A_69 = arith.constant 160 : i32
    %dma_start3A_70 = tpu.memref_slice %arg7[%dma_start3A_69] : memref<10000xi32, #tpu.memory_space<vmem>> -> memref<40xi32, #tpu.memory_space<vmem>>
    %dma_start3A_71 = arith.constant 0 : i32
    %dma_start3A_72 = arith.constant 0 : i32
    %dma_start3A_73 = tpu.memref_slice %arg4[%dma_start3A_71, %dma_start3A_72] : memref<10000x128xf32, #tpu.memory_space<hbm>> -> memref<10000x128xf32, #tpu.memory_space<hbm>>
    tpu.enqueue_indirect_dma source(%dma_start3A_73 : memref<10000x128xf32, #tpu.memory_space<hbm>>) target(%dma_start3A_68 : memref<40x128xf32, #tpu.memory_space<vmem>>) offsets(%dma_start3A_70 : memref<40xi32, #tpu.memory_space<vmem>>) semaphore(%arg15 : memref<!tpu.dma_semaphore, #tpu.memory_space<semaphore_mem>>)
    %scan3A = arith.constant 0 : i32
    %scan3A_74 = arith.constant 0 : i32
    %scan3A_75 = arith.constant 50 : i32
    %scan3A_76 = arith.addi %scan3A_74, %scan3A_75 : i32
    %scan3A_77 = arith.constant 1 : i32
    scf.for %scan3A_90 = %scan3A_74 to %scan3A_76 step %scan3A_77  : i32 {
      %mul3A_91 = arith.constant 5 : i32
      %mul3A_92 = arith.muli %scan3A_90, %mul3A_91 : i32
      %add3A_93 = arith.constant 0 : i32
      %add3A_94 = arith.addi %add3A_93, %mul3A_92 : i32
      %add3A_95 = arith.constant 0 : i32
      %add3A_96 = arith.addi %add3A_94, %add3A_95 : i32
      %mul3A_97 = arith.constant 40 : i32
      %mul3A_98 = arith.muli %add3A_96, %mul3A_97 : i32
      %dma_wait3A_99 = arith.constant 0 : i32
      %dma_wait3A_100 = arith.constant 0 : i32
      %dma_wait3A_101 = arith.constant 0 : i32
      %dma_wait3A_102 = tpu.memref_slice %arg9[%dma_wait3A_99, %dma_wait3A_100, %dma_wait3A_101] : memref<5x40x128xf32, #tpu.memory_space<vmem>> -> memref<1x40x128xf32, #tpu.memory_space<vmem>>
      %dma_wait3A_103 = tpu.memref_squeeze %dma_wait3A_102 : memref<1x40x128xf32, #tpu.memory_space<vmem>> -> memref<40x128xf32, #tpu.memory_space<vmem>>
      %dma_wait3A_104 = tpu.memref_slice %arg7[%mul3A_98] : memref<10000xi32, #tpu.memory_space<vmem>> -> memref<40xi32, #tpu.memory_space<vmem>>
      %dma_wait3A_105 = arith.constant 0 : i32
      %dma_wait3A_106 = arith.constant 0 : i32
      %dma_wait3A_107 = tpu.memref_slice %arg4[%dma_wait3A_105, %dma_wait3A_106] : memref<10000x128xf32, #tpu.memory_space<hbm>> -> memref<10000x128xf32, #tpu.memory_space<hbm>>
      tpu.wait_indirect_dma semaphore(%arg11 : memref<!tpu.dma_semaphore, #tpu.memory_space<semaphore_mem>>) src(%dma_wait3A_107 : memref<10000x128xf32, #tpu.memory_space<hbm>>) dst(%dma_wait3A_103 : memref<40x128xf32, #tpu.memory_space<vmem>>)
      %add3A_108 = arith.constant 0 : i32
      %add3A_109 = arith.addi %add3A_94, %add3A_108 : i32
      %mul3A_110 = arith.constant 40 : i32
      %mul3A_111 = arith.muli %add3A_109, %mul3A_110 : i32
      %dma_start3A_112 = arith.constant 0 : i32
      %dma_start3A_113 = arith.constant 0 : i32
      %dma_start3A_114 = arith.constant 0 : i32
      %dma_start3A_115 = tpu.memref_slice %arg9[%dma_start3A_112, %dma_start3A_113, %dma_start3A_114] : memref<5x40x128xf32, #tpu.memory_space<vmem>> -> memref<1x40x128xf32, #tpu.memory_space<vmem>>
      %dma_start3A_116 = tpu.memref_squeeze %dma_start3A_115 : memref<1x40x128xf32, #tpu.memory_space<vmem>> -> memref<40x128xf32, #tpu.memory_space<vmem>>
      %dma_start3A_117 = tpu.memref_slice %arg8[%mul3A_111] : memref<10000xi32, #tpu.memory_space<vmem>> -> memref<40xi32, #tpu.memory_space<vmem>>
      %dma_start3A_118 = arith.constant 0 : i32
      %dma_start3A_119 = arith.constant 0 : i32
      %dma_start3A_120 = tpu.memref_slice %arg10[%dma_start3A_118, %dma_start3A_119] : memref<10000x128xf32, #tpu.memory_space<vmem_shared>> -> memref<10000x128xf32, #tpu.memory_space<vmem_shared>>
      tpu.enqueue_indirect_dma source(%dma_start3A_116 : memref<40x128xf32, #tpu.memory_space<vmem>>) target(%dma_start3A_120 : memref<10000x128xf32, #tpu.memory_space<vmem_shared>>) offsets(%dma_start3A_117 : memref<40xi32, #tpu.memory_space<vmem>>) semaphore(%arg16 : memref<!tpu.dma_semaphore, #tpu.memory_space<semaphore_mem>>) {add = true}
      %add3A_121 = arith.constant 1 : i32
      %add3A_122 = arith.addi %add3A_94, %add3A_121 : i32
      %mul3A_123 = arith.constant 40 : i32
      %mul3A_124 = arith.muli %add3A_122, %mul3A_123 : i32
      %dma_wait3A_125 = arith.constant 1 : i32
      %dma_wait3A_126 = arith.constant 0 : i32
      %dma_wait3A_127 = arith.constant 0 : i32
      %dma_wait3A_128 = tpu.memref_slice %arg9[%dma_wait3A_125, %dma_wait3A_126, %dma_wait3A_127] : memref<5x40x128xf32, #tpu.memory_space<vmem>> -> memref<1x40x128xf32, #tpu.memory_space<vmem>>
      %dma_wait3A_129 = tpu.memref_squeeze %dma_wait3A_128 : memref<1x40x128xf32, #tpu.memory_space<vmem>> -> memref<40x128xf32, #tpu.memory_space<vmem>>
      %dma_wait3A_130 = tpu.memref_slice %arg7[%mul3A_124] : memref<10000xi32, #tpu.memory_space<vmem>> -> memref<40xi32, #tpu.memory_space<vmem>>
      %dma_wait3A_131 = arith.constant 0 : i32
      %dma_wait3A_132 = arith.constant 0 : i32
      %dma_wait3A_133 = tpu.memref_slice %arg4[%dma_wait3A_131, %dma_wait3A_132] : memref<10000x128xf32, #tpu.memory_space<hbm>> -> memref<10000x128xf32, #tpu.memory_space<hbm>>
      tpu.wait_indirect_dma semaphore(%arg12 : memref<!tpu.dma_semaphore, #tpu.memory_space<semaphore_mem>>) src(%dma_wait3A_133 : memref<10000x128xf32, #tpu.memory_space<hbm>>) dst(%dma_wait3A_129 : memref<40x128xf32, #tpu.memory_space<vmem>>)
      %add3A_134 = arith.constant 1 : i32
      %add3A_135 = arith.addi %add3A_94, %add3A_134 : i32
      %mul3A_136 = arith.constant 40 : i32
      %mul3A_137 = arith.muli %add3A_135, %mul3A_136 : i32
      %dma_start3A_138 = arith.constant 1 : i32
      %dma_start3A_139 = arith.constant 0 : i32
      %dma_start3A_140 = arith.constant 0 : i32
      %dma_start3A_141 = tpu.memref_slice %arg9[%dma_start3A_138, %dma_start3A_139, %dma_start3A_140] : memref<5x40x128xf32, #tpu.memory_space<vmem>> -> memref<1x40x128xf32, #tpu.memory_space<vmem>>
      %dma_start3A_142 = tpu.memref_squeeze %dma_start3A_141 : memref<1x40x128xf32, #tpu.memory_space<vmem>> -> memref<40x128xf32, #tpu.memory_space<vmem>>
      %dma_start3A_143 = tpu.memref_slice %arg8[%mul3A_137] : memref<10000xi32, #tpu.memory_space<vmem>> -> memref<40xi32, #tpu.memory_space<vmem>>
      %dma_start3A_144 = arith.constant 0 : i32
      %dma_start3A_145 = arith.constant 0 : i32
      %dma_start3A_146 = tpu.memref_slice %arg10[%dma_start3A_144, %dma_start3A_145] : memref<10000x128xf32, #tpu.memory_space<vmem_shared>> -> memref<10000x128xf32, #tpu.memory_space<vmem_shared>>
      tpu.enqueue_indirect_dma source(%dma_start3A_142 : memref<40x128xf32, #tpu.memory_space<vmem>>) target(%dma_start3A_146 : memref<10000x128xf32, #tpu.memory_space<vmem_shared>>) offsets(%dma_start3A_143 : memref<40xi32, #tpu.memory_space<vmem>>) semaphore(%arg17 : memref<!tpu.dma_semaphore, #tpu.memory_space<semaphore_mem>>) {add = true}
      %add3A_147 = arith.constant 2 : i32
      %add3A_148 = arith.addi %add3A_94, %add3A_147 : i32
      %mul3A_149 = arith.constant 40 : i32
      %mul3A_150 = arith.muli %add3A_148, %mul3A_149 : i32
      %dma_wait3A_151 = arith.constant 2 : i32
      %dma_wait3A_152 = arith.constant 0 : i32
      %dma_wait3A_153 = arith.constant 0 : i32
      %dma_wait3A_154 = tpu.memref_slice %arg9[%dma_wait3A_151, %dma_wait3A_152, %dma_wait3A_153] : memref<5x40x128xf32, #tpu.memory_space<vmem>> -> memref<1x40x128xf32, #tpu.memory_space<vmem>>
      %dma_wait3A_155 = tpu.memref_squeeze %dma_wait3A_154 : memref<1x40x128xf32, #tpu.memory_space<vmem>> -> memref<40x128xf32, #tpu.memory_space<vmem>>
      %dma_wait3A_156 = tpu.memref_slice %arg7[%mul3A_150] : memref<10000xi32, #tpu.memory_space<vmem>> -> memref<40xi32, #tpu.memory_space<vmem>>
      %dma_wait3A_157 = arith.constant 0 : i32
      %dma_wait3A_158 = arith.constant 0 : i32
      %dma_wait3A_159 = tpu.memref_slice %arg4[%dma_wait3A_157, %dma_wait3A_158] : memref<10000x128xf32, #tpu.memory_space<hbm>> -> memref<10000x128xf32, #tpu.memory_space<hbm>>
      tpu.wait_indirect_dma semaphore(%arg13 : memref<!tpu.dma_semaphore, #tpu.memory_space<semaphore_mem>>) src(%dma_wait3A_159 : memref<10000x128xf32, #tpu.memory_space<hbm>>) dst(%dma_wait3A_155 : memref<40x128xf32, #tpu.memory_space<vmem>>)
      %add3A_160 = arith.constant 2 : i32
      %add3A_161 = arith.addi %add3A_94, %add3A_160 : i32
      %mul3A_162 = arith.constant 40 : i32
      %mul3A_163 = arith.muli %add3A_161, %mul3A_162 : i32
      %dma_start3A_164 = arith.constant 2 : i32
      %dma_start3A_165 = arith.constant 0 : i32
      %dma_start3A_166 = arith.constant 0 : i32
      %dma_start3A_167 = tpu.memref_slice %arg9[%dma_start3A_164, %dma_start3A_165, %dma_start3A_166] : memref<5x40x128xf32, #tpu.memory_space<vmem>> -> memref<1x40x128xf32, #tpu.memory_space<vmem>>
      %dma_start3A_168 = tpu.memref_squeeze %dma_start3A_167 : memref<1x40x128xf32, #tpu.memory_space<vmem>> -> memref<40x128xf32, #tpu.memory_space<vmem>>
      %dma_start3A_169 = tpu.memref_slice %arg8[%mul3A_163] : memref<10000xi32, #tpu.memory_space<vmem>> -> memref<40xi32, #tpu.memory_space<vmem>>
      %dma_start3A_170 = arith.constant 0 : i32
      %dma_start3A_171 = arith.constant 0 : i32
      %dma_start3A_172 = tpu.memref_slice %arg10[%dma_start3A_170, %dma_start3A_171] : memref<10000x128xf32, #tpu.memory_space<vmem_shared>> -> memref<10000x128xf32, #tpu.memory_space<vmem_shared>>
      tpu.enqueue_indirect_dma source(%dma_start3A_168 : memref<40x128xf32, #tpu.memory_space<vmem>>) target(%dma_start3A_172 : memref<10000x128xf32, #tpu.memory_space<vmem_shared>>) offsets(%dma_start3A_169 : memref<40xi32, #tpu.memory_space<vmem>>) semaphore(%arg18 : memref<!tpu.dma_semaphore, #tpu.memory_space<semaphore_mem>>) {add = true}
      %add3A_173 = arith.constant 3 : i32
      %add3A_174 = arith.addi %add3A_94, %add3A_173 : i32
      %mul3A_175 = arith.constant 40 : i32
      %mul3A_176 = arith.muli %add3A_174, %mul3A_175 : i32
      %dma_wait3A_177 = arith.constant 3 : i32
      %dma_wait3A_178 = arith.constant 0 : i32
      %dma_wait3A_179 = arith.constant 0 : i32
      %dma_wait3A_180 = tpu.memref_slice %arg9[%dma_wait3A_177, %dma_wait3A_178, %dma_wait3A_179] : memref<5x40x128xf32, #tpu.memory_space<vmem>> -> memref<1x40x128xf32, #tpu.memory_space<vmem>>
      %dma_wait3A_181 = tpu.memref_squeeze %dma_wait3A_180 : memref<1x40x128xf32, #tpu.memory_space<vmem>> -> memref<40x128xf32, #tpu.memory_space<vmem>>
      %dma_wait3A_182 = tpu.memref_slice %arg7[%mul3A_176] : memref<10000xi32, #tpu.memory_space<vmem>> -> memref<40xi32, #tpu.memory_space<vmem>>
      %dma_wait3A_183 = arith.constant 0 : i32
      %dma_wait3A_184 = arith.constant 0 : i32
      %dma_wait3A_185 = tpu.memref_slice %arg4[%dma_wait3A_183, %dma_wait3A_184] : memref<10000x128xf32, #tpu.memory_space<hbm>> -> memref<10000x128xf32, #tpu.memory_space<hbm>>
      tpu.wait_indirect_dma semaphore(%arg14 : memref<!tpu.dma_semaphore, #tpu.memory_space<semaphore_mem>>) src(%dma_wait3A_185 : memref<10000x128xf32, #tpu.memory_space<hbm>>) dst(%dma_wait3A_181 : memref<40x128xf32, #tpu.memory_space<vmem>>)
      %add3A_186 = arith.constant 3 : i32
      %add3A_187 = arith.addi %add3A_94, %add3A_186 : i32
      %mul3A_188 = arith.constant 40 : i32
      %mul3A_189 = arith.muli %add3A_187, %mul3A_188 : i32
      %dma_start3A_190 = arith.constant 3 : i32
      %dma_start3A_191 = arith.constant 0 : i32
      %dma_start3A_192 = arith.constant 0 : i32
      %dma_start3A_193 = tpu.memref_slice %arg9[%dma_start3A_190, %dma_start3A_191, %dma_start3A_192] : memref<5x40x128xf32, #tpu.memory_space<vmem>> -> memref<1x40x128xf32, #tpu.memory_space<vmem>>
      %dma_start3A_194 = tpu.memref_squeeze %dma_start3A_193 : memref<1x40x128xf32, #tpu.memory_space<vmem>> -> memref<40x128xf32, #tpu.memory_space<vmem>>
      %dma_start3A_195 = tpu.memref_slice %arg8[%mul3A_189] : memref<10000xi32, #tpu.memory_space<vmem>> -> memref<40xi32, #tpu.memory_space<vmem>>
      %dma_start3A_196 = arith.constant 0 : i32
      %dma_start3A_197 = arith.constant 0 : i32
      %dma_start3A_198 = tpu.memref_slice %arg10[%dma_start3A_196, %dma_start3A_197] : memref<10000x128xf32, #tpu.memory_space<vmem_shared>> -> memref<10000x128xf32, #tpu.memory_space<vmem_shared>>
      tpu.enqueue_indirect_dma source(%dma_start3A_194 : memref<40x128xf32, #tpu.memory_space<vmem>>) target(%dma_start3A_198 : memref<10000x128xf32, #tpu.memory_space<vmem_shared>>) offsets(%dma_start3A_195 : memref<40xi32, #tpu.memory_space<vmem>>) semaphore(%arg19 : memref<!tpu.dma_semaphore, #tpu.memory_space<semaphore_mem>>) {add = true}
      %add3A_199 = arith.constant 4 : i32
      %add3A_200 = arith.addi %add3A_94, %add3A_199 : i32
      %mul3A_201 = arith.constant 40 : i32
      %mul3A_202 = arith.muli %add3A_200, %mul3A_201 : i32
      %dma_wait3A_203 = arith.constant 4 : i32
      %dma_wait3A_204 = arith.constant 0 : i32
      %dma_wait3A_205 = arith.constant 0 : i32
      %dma_wait3A_206 = tpu.memref_slice %arg9[%dma_wait3A_203, %dma_wait3A_204, %dma_wait3A_205] : memref<5x40x128xf32, #tpu.memory_space<vmem>> -> memref<1x40x128xf32, #tpu.memory_space<vmem>>
      %dma_wait3A_207 = tpu.memref_squeeze %dma_wait3A_206 : memref<1x40x128xf32, #tpu.memory_space<vmem>> -> memref<40x128xf32, #tpu.memory_space<vmem>>
      %dma_wait3A_208 = tpu.memref_slice %arg7[%mul3A_202] : memref<10000xi32, #tpu.memory_space<vmem>> -> memref<40xi32, #tpu.memory_space<vmem>>
      %dma_wait3A_209 = arith.constant 0 : i32
      %dma_wait3A_210 = arith.constant 0 : i32
      %dma_wait3A_211 = tpu.memref_slice %arg4[%dma_wait3A_209, %dma_wait3A_210] : memref<10000x128xf32, #tpu.memory_space<hbm>> -> memref<10000x128xf32, #tpu.memory_space<hbm>>
      tpu.wait_indirect_dma semaphore(%arg15 : memref<!tpu.dma_semaphore, #tpu.memory_space<semaphore_mem>>) src(%dma_wait3A_211 : memref<10000x128xf32, #tpu.memory_space<hbm>>) dst(%dma_wait3A_207 : memref<40x128xf32, #tpu.memory_space<vmem>>)
      %add3A_212 = arith.constant 4 : i32
      %add3A_213 = arith.addi %add3A_94, %add3A_212 : i32
      %mul3A_214 = arith.constant 40 : i32
      %mul3A_215 = arith.muli %add3A_213, %mul3A_214 : i32
      %dma_start3A_216 = arith.constant 4 : i32
      %dma_start3A_217 = arith.constant 0 : i32
      %dma_start3A_218 = arith.constant 0 : i32
      %dma_start3A_219 = tpu.memref_slice %arg9[%dma_start3A_216, %dma_start3A_217, %dma_start3A_218] : memref<5x40x128xf32, #tpu.memory_space<vmem>> -> memref<1x40x128xf32, #tpu.memory_space<vmem>>
      %dma_start3A_220 = tpu.memref_squeeze %dma_start3A_219 : memref<1x40x128xf32, #tpu.memory_space<vmem>> -> memref<40x128xf32, #tpu.memory_space<vmem>>
      %dma_start3A_221 = tpu.memref_slice %arg8[%mul3A_215] : memref<10000xi32, #tpu.memory_space<vmem>> -> memref<40xi32, #tpu.memory_space<vmem>>
      %dma_start3A_222 = arith.constant 0 : i32
      %dma_start3A_223 = arith.constant 0 : i32
      %dma_start3A_224 = tpu.memref_slice %arg10[%dma_start3A_222, %dma_start3A_223] : memref<10000x128xf32, #tpu.memory_space<vmem_shared>> -> memref<10000x128xf32, #tpu.memory_space<vmem_shared>>
      tpu.enqueue_indirect_dma source(%dma_start3A_220 : memref<40x128xf32, #tpu.memory_space<vmem>>) target(%dma_start3A_224 : memref<10000x128xf32, #tpu.memory_space<vmem_shared>>) offsets(%dma_start3A_221 : memref<40xi32, #tpu.memory_space<vmem>>) semaphore(%arg20 : memref<!tpu.dma_semaphore, #tpu.memory_space<semaphore_mem>>) {add = true}
      %dma_wait3A_225 = arith.constant 0 : i32
      %dma_wait3A_226 = arith.constant 0 : i32
      %dma_wait3A_227 = arith.constant 0 : i32
      %dma_wait3A_228 = tpu.memref_slice %arg9[%dma_wait3A_225, %dma_wait3A_226, %dma_wait3A_227] : memref<5x40x128xf32, #tpu.memory_space<vmem>> -> memref<1x40x128xf32, #tpu.memory_space<vmem>>
      %dma_wait3A_229 = tpu.memref_squeeze %dma_wait3A_228 : memref<1x40x128xf32, #tpu.memory_space<vmem>> -> memref<40x128xf32, #tpu.memory_space<vmem>>
      %dma_wait3A_230 = tpu.memref_slice %arg8[%mul3A_111] : memref<10000xi32, #tpu.memory_space<vmem>> -> memref<40xi32, #tpu.memory_space<vmem>>
      %dma_wait3A_231 = arith.constant 0 : i32
      %dma_wait3A_232 = arith.constant 0 : i32
      %dma_wait3A_233 = tpu.memref_slice %arg10[%dma_wait3A_231, %dma_wait3A_232] : memref<10000x128xf32, #tpu.memory_space<vmem_shared>> -> memref<10000x128xf32, #tpu.memory_space<vmem_shared>>
      tpu.wait_indirect_dma semaphore(%arg16 : memref<!tpu.dma_semaphore, #tpu.memory_space<semaphore_mem>>) src(%dma_wait3A_229 : memref<40x128xf32, #tpu.memory_space<vmem>>) dst(%dma_wait3A_233 : memref<10000x128xf32, #tpu.memory_space<vmem_shared>>)
      %lt3A_234 = arith.constant 49 : i32
      %lt3A_235 = arith.cmpi slt, %scan3A_90, %lt3A_234 : i32
      %convert_element_type3A_236 = arith.extui %lt3A_235 : i1 to i32
      %cond3A_237 = arith.constant 0 : i32
      %cond3A_238 = arith.cmpi ne, %convert_element_type3A_236, %cond3A_237 : i32
      scf.if %cond3A_238 {
        %add3A_295 = arith.constant 5 : i32
        %add3A_296 = arith.addi %add3A_94, %add3A_295 : i32
        %add3A_297 = arith.constant 0 : i32
        %add3A_298 = arith.addi %add3A_296, %add3A_297 : i32
        %mul3A_299 = arith.constant 40 : i32
        %mul3A_300 = arith.muli %add3A_298, %mul3A_299 : i32
        %dma_start3A_301 = arith.constant 0 : i32
        %dma_start3A_302 = arith.constant 0 : i32
        %dma_start3A_303 = arith.constant 0 : i32
        %dma_start3A_304 = tpu.memref_slice %arg9[%dma_start3A_301, %dma_start3A_302, %dma_start3A_303] : memref<5x40x128xf32, #tpu.memory_space<vmem>> -> memref<1x40x128xf32, #tpu.memory_space<vmem>>
        %dma_start3A_305 = tpu.memref_squeeze %dma_start3A_304 : memref<1x40x128xf32, #tpu.memory_space<vmem>> -> memref<40x128xf32, #tpu.memory_space<vmem>>
        %dma_start3A_306 = tpu.memref_slice %arg7[%mul3A_300] : memref<10000xi32, #tpu.memory_space<vmem>> -> memref<40xi32, #tpu.memory_space<vmem>>
        %dma_start3A_307 = arith.constant 0 : i32
        %dma_start3A_308 = arith.constant 0 : i32
        %dma_start3A_309 = tpu.memref_slice %arg4[%dma_start3A_307, %dma_start3A_308] : memref<10000x128xf32, #tpu.memory_space<hbm>> -> memref<10000x128xf32, #tpu.memory_space<hbm>>
        tpu.enqueue_indirect_dma source(%dma_start3A_309 : memref<10000x128xf32, #tpu.memory_space<hbm>>) target(%dma_start3A_305 : memref<40x128xf32, #tpu.memory_space<vmem>>) offsets(%dma_start3A_306 : memref<40xi32, #tpu.memory_space<vmem>>) semaphore(%arg11 : memref<!tpu.dma_semaphore, #tpu.memory_space<semaphore_mem>>)
      } else {
      }
      %dma_wait3A_239 = arith.constant 1 : i32
      %dma_wait3A_240 = arith.constant 0 : i32
      %dma_wait3A_241 = arith.constant 0 : i32
      %dma_wait3A_242 = tpu.memref_slice %arg9[%dma_wait3A_239, %dma_wait3A_240, %dma_wait3A_241] : memref<5x40x128xf32, #tpu.memory_space<vmem>> -> memref<1x40x128xf32, #tpu.memory_space<vmem>>
      %dma_wait3A_243 = tpu.memref_squeeze %dma_wait3A_242 : memref<1x40x128xf32, #tpu.memory_space<vmem>> -> memref<40x128xf32, #tpu.memory_space<vmem>>
      %dma_wait3A_244 = tpu.memref_slice %arg8[%mul3A_137] : memref<10000xi32, #tpu.memory_space<vmem>> -> memref<40xi32, #tpu.memory_space<vmem>>
      %dma_wait3A_245 = arith.constant 0 : i32
      %dma_wait3A_246 = arith.constant 0 : i32
      %dma_wait3A_247 = tpu.memref_slice %arg10[%dma_wait3A_245, %dma_wait3A_246] : memref<10000x128xf32, #tpu.memory_space<vmem_shared>> -> memref<10000x128xf32, #tpu.memory_space<vmem_shared>>
      tpu.wait_indirect_dma semaphore(%arg17 : memref<!tpu.dma_semaphore, #tpu.memory_space<semaphore_mem>>) src(%dma_wait3A_243 : memref<40x128xf32, #tpu.memory_space<vmem>>) dst(%dma_wait3A_247 : memref<10000x128xf32, #tpu.memory_space<vmem_shared>>)
      %lt3A_248 = arith.constant 49 : i32
      %lt3A_249 = arith.cmpi slt, %scan3A_90, %lt3A_248 : i32
      %convert_element_type3A_250 = arith.extui %lt3A_249 : i1 to i32
      %cond3A_251 = arith.constant 0 : i32
      %cond3A_252 = arith.cmpi ne, %convert_element_type3A_250, %cond3A_251 : i32
      scf.if %cond3A_252 {
        %add3A_295 = arith.constant 5 : i32
        %add3A_296 = arith.addi %add3A_94, %add3A_295 : i32
        %add3A_297 = arith.constant 1 : i32
        %add3A_298 = arith.addi %add3A_296, %add3A_297 : i32
        %mul3A_299 = arith.constant 40 : i32
        %mul3A_300 = arith.muli %add3A_298, %mul3A_299 : i32
        %dma_start3A_301 = arith.constant 1 : i32
        %dma_start3A_302 = arith.constant 0 : i32
        %dma_start3A_303 = arith.constant 0 : i32
        %dma_start3A_304 = tpu.memref_slice %arg9[%dma_start3A_301, %dma_start3A_302, %dma_start3A_303] : memref<5x40x128xf32, #tpu.memory_space<vmem>> -> memref<1x40x128xf32, #tpu.memory_space<vmem>>
        %dma_start3A_305 = tpu.memref_squeeze %dma_start3A_304 : memref<1x40x128xf32, #tpu.memory_space<vmem>> -> memref<40x128xf32, #tpu.memory_space<vmem>>
        %dma_start3A_306 = tpu.memref_slice %arg7[%mul3A_300] : memref<10000xi32, #tpu.memory_space<vmem>> -> memref<40xi32, #tpu.memory_space<vmem>>
        %dma_start3A_307 = arith.constant 0 : i32
        %dma_start3A_308 = arith.constant 0 : i32
        %dma_start3A_309 = tpu.memref_slice %arg4[%dma_start3A_307, %dma_start3A_308] : memref<10000x128xf32, #tpu.memory_space<hbm>> -> memref<10000x128xf32, #tpu.memory_space<hbm>>
        tpu.enqueue_indirect_dma source(%dma_start3A_309 : memref<10000x128xf32, #tpu.memory_space<hbm>>) target(%dma_start3A_305 : memref<40x128xf32, #tpu.memory_space<vmem>>) offsets(%dma_start3A_306 : memref<40xi32, #tpu.memory_space<vmem>>) semaphore(%arg12 : memref<!tpu.dma_semaphore, #tpu.memory_space<semaphore_mem>>)
      } else {
      }
      %dma_wait3A_253 = arith.constant 2 : i32
      %dma_wait3A_254 = arith.constant 0 : i32
      %dma_wait3A_255 = arith.constant 0 : i32
      %dma_wait3A_256 = tpu.memref_slice %arg9[%dma_wait3A_253, %dma_wait3A_254, %dma_wait3A_255] : memref<5x40x128xf32, #tpu.memory_space<vmem>> -> memref<1x40x128xf32, #tpu.memory_space<vmem>>
      %dma_wait3A_257 = tpu.memref_squeeze %dma_wait3A_256 : memref<1x40x128xf32, #tpu.memory_space<vmem>> -> memref<40x128xf32, #tpu.memory_space<vmem>>
      %dma_wait3A_258 = tpu.memref_slice %arg8[%mul3A_163] : memref<10000xi32, #tpu.memory_space<vmem>> -> memref<40xi32, #tpu.memory_space<vmem>>
      %dma_wait3A_259 = arith.constant 0 : i32
      %dma_wait3A_260 = arith.constant 0 : i32
      %dma_wait3A_261 = tpu.memref_slice %arg10[%dma_wait3A_259, %dma_wait3A_260] : memref<10000x128xf32, #tpu.memory_space<vmem_shared>> -> memref<10000x128xf32, #tpu.memory_space<vmem_shared>>
      tpu.wait_indirect_dma semaphore(%arg18 : memref<!tpu.dma_semaphore, #tpu.memory_space<semaphore_mem>>) src(%dma_wait3A_257 : memref<40x128xf32, #tpu.memory_space<vmem>>) dst(%dma_wait3A_261 : memref<10000x128xf32, #tpu.memory_space<vmem_shared>>)
      %lt3A_262 = arith.constant 49 : i32
      %lt3A_263 = arith.cmpi slt, %scan3A_90, %lt3A_262 : i32
      %convert_element_type3A_264 = arith.extui %lt3A_263 : i1 to i32
      %cond3A_265 = arith.constant 0 : i32
      %cond3A_266 = arith.cmpi ne, %convert_element_type3A_264, %cond3A_265 : i32
      scf.if %cond3A_266 {
        %add3A_295 = arith.constant 5 : i32
        %add3A_296 = arith.addi %add3A_94, %add3A_295 : i32
        %add3A_297 = arith.constant 2 : i32
        %add3A_298 = arith.addi %add3A_296, %add3A_297 : i32
        %mul3A_299 = arith.constant 40 : i32
        %mul3A_300 = arith.muli %add3A_298, %mul3A_299 : i32
        %dma_start3A_301 = arith.constant 2 : i32
        %dma_start3A_302 = arith.constant 0 : i32
        %dma_start3A_303 = arith.constant 0 : i32
        %dma_start3A_304 = tpu.memref_slice %arg9[%dma_start3A_301, %dma_start3A_302, %dma_start3A_303] : memref<5x40x128xf32, #tpu.memory_space<vmem>> -> memref<1x40x128xf32, #tpu.memory_space<vmem>>
        %dma_start3A_305 = tpu.memref_squeeze %dma_start3A_304 : memref<1x40x128xf32, #tpu.memory_space<vmem>> -> memref<40x128xf32, #tpu.memory_space<vmem>>
        %dma_start3A_306 = tpu.memref_slice %arg7[%mul3A_300] : memref<10000xi32, #tpu.memory_space<vmem>> -> memref<40xi32, #tpu.memory_space<vmem>>
        %dma_start3A_307 = arith.constant 0 : i32
        %dma_start3A_308 = arith.constant 0 : i32
        %dma_start3A_309 = tpu.memref_slice %arg4[%dma_start3A_307, %dma_start3A_308] : memref<10000x128xf32, #tpu.memory_space<hbm>> -> memref<10000x128xf32, #tpu.memory_space<hbm>>
        tpu.enqueue_indirect_dma source(%dma_start3A_309 : memref<10000x128xf32, #tpu.memory_space<hbm>>) target(%dma_start3A_305 : memref<40x128xf32, #tpu.memory_space<vmem>>) offsets(%dma_start3A_306 : memref<40xi32, #tpu.memory_space<vmem>>) semaphore(%arg13 : memref<!tpu.dma_semaphore, #tpu.memory_space<semaphore_mem>>)
      } else {
      }
      %dma_wait3A_267 = arith.constant 3 : i32
      %dma_wait3A_268 = arith.constant 0 : i32
      %dma_wait3A_269 = arith.constant 0 : i32
      %dma_wait3A_270 = tpu.memref_slice %arg9[%dma_wait3A_267, %dma_wait3A_268, %dma_wait3A_269] : memref<5x40x128xf32, #tpu.memory_space<vmem>> -> memref<1x40x128xf32, #tpu.memory_space<vmem>>
      %dma_wait3A_271 = tpu.memref_squeeze %dma_wait3A_270 : memref<1x40x128xf32, #tpu.memory_space<vmem>> -> memref<40x128xf32, #tpu.memory_space<vmem>>
      %dma_wait3A_272 = tpu.memref_slice %arg8[%mul3A_189] : memref<10000xi32, #tpu.memory_space<vmem>> -> memref<40xi32, #tpu.memory_space<vmem>>
      %dma_wait3A_273 = arith.constant 0 : i32
      %dma_wait3A_274 = arith.constant 0 : i32
      %dma_wait3A_275 = tpu.memref_slice %arg10[%dma_wait3A_273, %dma_wait3A_274] : memref<10000x128xf32, #tpu.memory_space<vmem_shared>> -> memref<10000x128xf32, #tpu.memory_space<vmem_shared>>
      tpu.wait_indirect_dma semaphore(%arg19 : memref<!tpu.dma_semaphore, #tpu.memory_space<semaphore_mem>>) src(%dma_wait3A_271 : memref<40x128xf32, #tpu.memory_space<vmem>>) dst(%dma_wait3A_275 : memref<10000x128xf32, #tpu.memory_space<vmem_shared>>)
      %lt3A_276 = arith.constant 49 : i32
      %lt3A_277 = arith.cmpi slt, %scan3A_90, %lt3A_276 : i32
      %convert_element_type3A_278 = arith.extui %lt3A_277 : i1 to i32
      %cond3A_279 = arith.constant 0 : i32
      %cond3A_280 = arith.cmpi ne, %convert_element_type3A_278, %cond3A_279 : i32
      scf.if %cond3A_280 {
        %add3A_295 = arith.constant 5 : i32
        %add3A_296 = arith.addi %add3A_94, %add3A_295 : i32
        %add3A_297 = arith.constant 3 : i32
        %add3A_298 = arith.addi %add3A_296, %add3A_297 : i32
        %mul3A_299 = arith.constant 40 : i32
        %mul3A_300 = arith.muli %add3A_298, %mul3A_299 : i32
        %dma_start3A_301 = arith.constant 3 : i32
        %dma_start3A_302 = arith.constant 0 : i32
        %dma_start3A_303 = arith.constant 0 : i32
        %dma_start3A_304 = tpu.memref_slice %arg9[%dma_start3A_301, %dma_start3A_302, %dma_start3A_303] : memref<5x40x128xf32, #tpu.memory_space<vmem>> -> memref<1x40x128xf32, #tpu.memory_space<vmem>>
        %dma_start3A_305 = tpu.memref_squeeze %dma_start3A_304 : memref<1x40x128xf32, #tpu.memory_space<vmem>> -> memref<40x128xf32, #tpu.memory_space<vmem>>
        %dma_start3A_306 = tpu.memref_slice %arg7[%mul3A_300] : memref<10000xi32, #tpu.memory_space<vmem>> -> memref<40xi32, #tpu.memory_space<vmem>>
        %dma_start3A_307 = arith.constant 0 : i32
        %dma_start3A_308 = arith.constant 0 : i32
        %dma_start3A_309 = tpu.memref_slice %arg4[%dma_start3A_307, %dma_start3A_308] : memref<10000x128xf32, #tpu.memory_space<hbm>> -> memref<10000x128xf32, #tpu.memory_space<hbm>>
        tpu.enqueue_indirect_dma source(%dma_start3A_309 : memref<10000x128xf32, #tpu.memory_space<hbm>>) target(%dma_start3A_305 : memref<40x128xf32, #tpu.memory_space<vmem>>) offsets(%dma_start3A_306 : memref<40xi32, #tpu.memory_space<vmem>>) semaphore(%arg14 : memref<!tpu.dma_semaphore, #tpu.memory_space<semaphore_mem>>)
      } else {
      }
      %dma_wait3A_281 = arith.constant 4 : i32
      %dma_wait3A_282 = arith.constant 0 : i32
      %dma_wait3A_283 = arith.constant 0 : i32
      %dma_wait3A_284 = tpu.memref_slice %arg9[%dma_wait3A_281, %dma_wait3A_282, %dma_wait3A_283] : memref<5x40x128xf32, #tpu.memory_space<vmem>> -> memref<1x40x128xf32, #tpu.memory_space<vmem>>
      %dma_wait3A_285 = tpu.memref_squeeze %dma_wait3A_284 : memref<1x40x128xf32, #tpu.memory_space<vmem>> -> memref<40x128xf32, #tpu.memory_space<vmem>>
      %dma_wait3A_286 = tpu.memref_slice %arg8[%mul3A_215] : memref<10000xi32, #tpu.memory_space<vmem>> -> memref<40xi32, #tpu.memory_space<vmem>>
      %dma_wait3A_287 = arith.constant 0 : i32
      %dma_wait3A_288 = arith.constant 0 : i32
      %dma_wait3A_289 = tpu.memref_slice %arg10[%dma_wait3A_287, %dma_wait3A_288] : memref<10000x128xf32, #tpu.memory_space<vmem_shared>> -> memref<10000x128xf32, #tpu.memory_space<vmem_shared>>
      tpu.wait_indirect_dma semaphore(%arg20 : memref<!tpu.dma_semaphore, #tpu.memory_space<semaphore_mem>>) src(%dma_wait3A_285 : memref<40x128xf32, #tpu.memory_space<vmem>>) dst(%dma_wait3A_289 : memref<10000x128xf32, #tpu.memory_space<vmem_shared>>)
      %lt3A_290 = arith.constant 49 : i32
      %lt3A_291 = arith.cmpi slt, %scan3A_90, %lt3A_290 : i32
      %convert_element_type3A_292 = arith.extui %lt3A_291 : i1 to i32
      %cond3A_293 = arith.constant 0 : i32
      %cond3A_294 = arith.cmpi ne, %convert_element_type3A_292, %cond3A_293 : i32
      scf.if %cond3A_294 {
        %add3A_295 = arith.constant 5 : i32
        %add3A_296 = arith.addi %add3A_94, %add3A_295 : i32
        %add3A_297 = arith.constant 4 : i32
        %add3A_298 = arith.addi %add3A_296, %add3A_297 : i32
        %mul3A_299 = arith.constant 40 : i32
        %mul3A_300 = arith.muli %add3A_298, %mul3A_299 : i32
        %dma_start3A_301 = arith.constant 4 : i32
        %dma_start3A_302 = arith.constant 0 : i32
        %dma_start3A_303 = arith.constant 0 : i32
        %dma_start3A_304 = tpu.memref_slice %arg9[%dma_start3A_301, %dma_start3A_302, %dma_start3A_303] : memref<5x40x128xf32, #tpu.memory_space<vmem>> -> memref<1x40x128xf32, #tpu.memory_space<vmem>>
        %dma_start3A_305 = tpu.memref_squeeze %dma_start3A_304 : memref<1x40x128xf32, #tpu.memory_space<vmem>> -> memref<40x128xf32, #tpu.memory_space<vmem>>
        %dma_start3A_306 = tpu.memref_slice %arg7[%mul3A_300] : memref<10000xi32, #tpu.memory_space<vmem>> -> memref<40xi32, #tpu.memory_space<vmem>>
        %dma_start3A_307 = arith.constant 0 : i32
        %dma_start3A_308 = arith.constant 0 : i32
        %dma_start3A_309 = tpu.memref_slice %arg4[%dma_start3A_307, %dma_start3A_308] : memref<10000x128xf32, #tpu.memory_space<hbm>> -> memref<10000x128xf32, #tpu.memory_space<hbm>>
        tpu.enqueue_indirect_dma source(%dma_start3A_309 : memref<10000x128xf32, #tpu.memory_space<hbm>>) target(%dma_start3A_305 : memref<40x128xf32, #tpu.memory_space<vmem>>) offsets(%dma_start3A_306 : memref<40xi32, #tpu.memory_space<vmem>>) semaphore(%arg15 : memref<!tpu.dma_semaphore, #tpu.memory_space<semaphore_mem>>)
      } else {
      }
    }
    %scan3A_78 = arith.constant 50 : i32
    %barrier3A_79 = arith.constant 0 : index
    tpu.barrier barrier_id(%barrier3A_79)
    %lt3A_80 = arith.constant 15 : i32
    %lt3A_81 = arith.cmpi slt, %arg1, %lt3A_80 : i32
    %convert_element_type3A_82 = arith.extui %lt3A_81 : i1 to i32
    %cond3A_83 = arith.constant 0 : i32
    %cond3A_84 = arith.cmpi ne, %convert_element_type3A_82, %cond3A_83 : i32
    scf.if %cond3A_84 {
      %mul3A_90 = arith.constant 624 : i32
      %mul3A_91 = arith.muli %arg1, %mul3A_90 : i32
      %mul3A_92 = arith.constant 624 : i32
      %mul3A_93 = arith.muli %arg1, %mul3A_92 : i32
      "tpu.region"() ({
        %run_scoped3A = tpu.sem_alloc : memref<!tpu.dma_semaphore, #tpu.memory_space<semaphore_mem>>
        %dma_start3A_94 = arith.constant 0 : i32
        %dma_start3A_95 = tpu.memref_slice %arg6[%arg0, %mul3A_93, %dma_start3A_94] : memref<2x10000x128xf32, #tpu.memory_space<hbm>> -> memref<1x624x128xf32, #tpu.memory_space<hbm>>
        %dma_start3A_96 = tpu.memref_squeeze %dma_start3A_95 : memref<1x624x128xf32, #tpu.memory_space<hbm>> -> memref<624x128xf32, #tpu.memory_space<hbm>>
        %dma_start3A_97 = arith.constant 0 : i32
        %dma_start3A_98 = tpu.memref_slice %arg10[%mul3A_91, %dma_start3A_97] : memref<10000x128xf32, #tpu.memory_space<vmem_shared>> -> memref<624x128xf32, #tpu.memory_space<vmem_shared>>
        tpu.enqueue_dma source(%dma_start3A_98 : memref<624x128xf32, #tpu.memory_space<vmem_shared>>) target(%dma_start3A_96 : memref<624x128xf32, #tpu.memory_space<hbm>>) target_semaphore(%run_scoped3A : memref<!tpu.dma_semaphore, #tpu.memory_space<semaphore_mem>>)
        %dma_wait3A_99 = arith.constant 0 : i32
        %dma_wait3A_100 = tpu.memref_slice %arg6[%arg0, %mul3A_93, %dma_wait3A_99] : memref<2x10000x128xf32, #tpu.memory_space<hbm>> -> memref<1x624x128xf32, #tpu.memory_space<hbm>>
        %dma_wait3A_101 = tpu.memref_squeeze %dma_wait3A_100 : memref<1x624x128xf32, #tpu.memory_space<hbm>> -> memref<624x128xf32, #tpu.memory_space<hbm>>
        %dma_wait3A_102 = arith.constant 0 : i32
        %dma_wait3A_103 = tpu.memref_slice %arg10[%mul3A_91, %dma_wait3A_102] : memref<10000x128xf32, #tpu.memory_space<vmem_shared>> -> memref<624x128xf32, #tpu.memory_space<vmem_shared>>
        tpu.wait_dma2 semaphore(%run_scoped3A : memref<!tpu.dma_semaphore, #tpu.memory_space<semaphore_mem>>) src(%dma_wait3A_103 : memref<624x128xf32, #tpu.memory_space<vmem_shared>>) dst(%dma_wait3A_101 : memref<624x128xf32, #tpu.memory_space<hbm>>)
        tpu.yield
      }) : () -> ()
    } else {
    }
    %eq3A_85 = arith.constant 15 : i32
    %eq3A_86 = arith.cmpi eq, %arg1, %eq3A_85 : i32
    %convert_element_type3A_87 = arith.extui %eq3A_86 : i1 to i32
    %cond3A_88 = arith.constant 0 : i32
    %cond3A_89 = arith.cmpi ne, %convert_element_type3A_87, %cond3A_88 : i32
    scf.if %cond3A_89 {
      "tpu.region"() ({
        %run_scoped3A = tpu.sem_alloc : memref<!tpu.dma_semaphore, #tpu.memory_space<semaphore_mem>>
        %dma_start3A_90 = arith.constant 9360 : i32
        %dma_start3A_91 = arith.constant 0 : i32
        %dma_start3A_92 = tpu.memref_slice %arg6[%arg0, %dma_start3A_90, %dma_start3A_91] : memref<2x10000x128xf32, #tpu.memory_space<hbm>> -> memref<1x640x128xf32, #tpu.memory_space<hbm>>
        %dma_start3A_93 = tpu.memref_squeeze %dma_start3A_92 : memref<1x640x128xf32, #tpu.memory_space<hbm>> -> memref<640x128xf32, #tpu.memory_space<hbm>>
        %dma_start3A_94 = arith.constant 9360 : i32
        %dma_start3A_95 = arith.constant 0 : i32
        %dma_start3A_96 = tpu.memref_slice %arg10[%dma_start3A_94, %dma_start3A_95] : memref<10000x128xf32, #tpu.memory_space<vmem_shared>> -> memref<640x128xf32, #tpu.memory_space<vmem_shared>>
        tpu.enqueue_dma source(%dma_start3A_96 : memref<640x128xf32, #tpu.memory_space<vmem_shared>>) target(%dma_start3A_93 : memref<640x128xf32, #tpu.memory_space<hbm>>) target_semaphore(%run_scoped3A : memref<!tpu.dma_semaphore, #tpu.memory_space<semaphore_mem>>)
        %dma_wait3A_97 = arith.constant 9360 : i32
        %dma_wait3A_98 = arith.constant 0 : i32
        %dma_wait3A_99 = tpu.memref_slice %arg6[%arg0, %dma_wait3A_97, %dma_wait3A_98] : memref<2x10000x128xf32, #tpu.memory_space<hbm>> -> memref<1x640x128xf32, #tpu.memory_space<hbm>>
        %dma_wait3A_100 = tpu.memref_squeeze %dma_wait3A_99 : memref<1x640x128xf32, #tpu.memory_space<hbm>> -> memref<640x128xf32, #tpu.memory_space<hbm>>
        %dma_wait3A_101 = arith.constant 9360 : i32
        %dma_wait3A_102 = arith.constant 0 : i32
        %dma_wait3A_103 = tpu.memref_slice %arg10[%dma_wait3A_101, %dma_wait3A_102] : memref<10000x128xf32, #tpu.memory_space<vmem_shared>> -> memref<640x128xf32, #tpu.memory_space<vmem_shared>>
        tpu.wait_dma2 semaphore(%run_scoped3A : memref<!tpu.dma_semaphore, #tpu.memory_space<semaphore_mem>>) src(%dma_wait3A_103 : memref<640x128xf32, #tpu.memory_space<vmem_shared>>) dst(%dma_wait3A_100 : memref<640x128xf32, #tpu.memory_space<hbm>>)
        tpu.yield
      }) : () -> ()
    } else {
    }
    return
  }
}

module attributes {stable_mosaic.version = 14 : i64} {
  func.func @_fin_body(%arg0: i32, %arg1: memref<2x1000x128xf32, #tpu.memory_space<vmem>>, %arg2: memref<1000x128xf32, #tpu.memory_space<vmem>>, %arg3: memref<2x1000x8xf32, #tpu.memory_space<vmem>>, %arg4: memref<1x128xf32, #tpu.memory_space<vmem>>, %arg5: memref<1x128xf32, #tpu.memory_space<vmem>>, %arg6: memref<128x128xf32, #tpu.memory_space<vmem>>, %arg7: memref<1x128xf32, #tpu.memory_space<vmem>>, %arg8: memref<256x128xf32, #tpu.memory_space<vmem>>, %arg9: memref<1x128xf32, #tpu.memory_space<vmem>>, %arg10: memref<128x128xf32, #tpu.memory_space<vmem>>, %arg11: memref<1x128xf32, #tpu.memory_space<vmem>>, %arg12: memref<1x128xf32, #tpu.memory_space<vmem>>, %arg13: memref<1x128xf32, #tpu.memory_space<vmem>>) attributes {dimension_semantics = [#tpu.dimension_semantics<arbitrary>], iteration_bounds = array<i64: 10>, scalar_prefetch = 0 : i64, scratch_operands = 1 : i64, tpu.core_type = #tpu.core_type<tc>, window_params = [{transform_indices = @transform_0, window_bounds = array<i64: 2, 1000, 128>}, {transform_indices = @transform_1, window_bounds = array<i64: 1000, 128>}, {transform_indices = @transform_2, window_bounds = array<i64: 2, 1000, 8>}, {pipeline_mode = #tpu.pipeline_mode<synchronous>, transform_indices = @transform_3, window_bounds = array<i64: 1, 128>}, {pipeline_mode = #tpu.pipeline_mode<synchronous>, transform_indices = @transform_4, window_bounds = array<i64: 1, 128>}, {pipeline_mode = #tpu.pipeline_mode<synchronous>, transform_indices = @transform_5, window_bounds = array<i64: 128, 128>}, {pipeline_mode = #tpu.pipeline_mode<synchronous>, transform_indices = @transform_6, window_bounds = array<i64: 1, 128>}, {pipeline_mode = #tpu.pipeline_mode<synchronous>, transform_indices = @transform_7, window_bounds = array<i64: 256, 128>}, {pipeline_mode = #tpu.pipeline_mode<synchronous>, transform_indices = @transform_8, window_bounds = array<i64: 1, 128>}, {pipeline_mode = #tpu.pipeline_mode<synchronous>, transform_indices = @transform_9, window_bounds = array<i64: 128, 128>}, {pipeline_mode = #tpu.pipeline_mode<synchronous>, transform_indices = @transform_10, window_bounds = array<i64: 1, 128>}, {pipeline_mode = #tpu.pipeline_mode<synchronous>, transform_indices = @transform_11, window_bounds = array<i64: 1, 128>}]} {
    %eq3A = arith.constant 0 : i32
    %eq3A_0 = arith.cmpi eq, %arg0, %eq3A : i32
    %convert_element_type3A = arith.extui %eq3A_0 : i1 to i32
    %cond3A = arith.constant 0 : i32
    %cond3A_1 = arith.cmpi ne, %convert_element_type3A, %cond3A : i32
    scf.if %cond3A_1 {
      %broadcast_in_dim3A_50 = arith.constant 0.000000e+00 : f32
      %broadcast_in_dim3A_51 = vector.broadcast %broadcast_in_dim3A_50 : f32 to vector<1x128xf32>
      %swap3A_52 = arith.constant 0 : index
      %swap3A_53 = arith.constant 0 : index
      %swap3A_54 = vector.load %arg13[%swap3A_52, %swap3A_53] : memref<1x128xf32, #tpu.memory_space<vmem>>, vector<1x128xf32>
      tpu.vector_store %arg13[%swap3A_52, %swap3A_53], %broadcast_in_dim3A_51 {strides = array<i32>} : memref<1x128xf32, #tpu.memory_space<vmem>>, vector<1x128xf32>,
    } else {
    }
    %get3A = arith.constant 0 : index
    %get3A_2 = arith.constant 0 : index
    %get3A_3 = arith.constant 0 : index
    %get3A_4 = vector.load %arg3[%get3A, %get3A_2, %get3A_3] : memref<2x1000x8xf32, #tpu.memory_space<vmem>>, vector<1x1000x1xf32>
    %get3A_5 = vector.shape_cast %get3A_4 : vector<1x1000x1xf32> to vector<1000xf32>
    %add3A = arith.constant 1.000000e+00 : f32
    %add3A_6 = vector.broadcast %add3A : f32 to vector<1000xf32>
    %add3A_7 = arith.addf %add3A_6, %get3A_5 : vector<1000xf32>
    %get3A_8 = arith.constant 1 : index
    %get3A_9 = arith.constant 0 : index
    %get3A_10 = arith.constant 0 : index
    %get3A_11 = vector.load %arg3[%get3A_8, %get3A_9, %get3A_10] : memref<2x1000x8xf32, #tpu.memory_space<vmem>>, vector<1x1000x1xf32>
    %get3A_12 = vector.shape_cast %get3A_11 : vector<1x1000x1xf32> to vector<1000xf32>
    %add3A_13 = arith.addf %add3A_7, %get3A_12 : vector<1000xf32>
    %rsqrt3A = math.rsqrt %add3A_13 : vector<1000xf32>
    %get3A_14 = arith.constant 0 : index
    %get3A_15 = arith.constant 0 : index
    %get3A_16 = arith.constant 0 : index
    %get3A_17 = vector.load %arg1[%get3A_14, %get3A_15, %get3A_16] : memref<2x1000x128xf32, #tpu.memory_space<vmem>>, vector<1x1000x128xf32>
    %get3A_18 = vector.shape_cast %get3A_17 : vector<1x1000x128xf32> to vector<1000x128xf32>
    %get3A_19 = arith.constant 1 : index
    %get3A_20 = arith.constant 0 : index
    %get3A_21 = arith.constant 0 : index
    %get3A_22 = vector.load %arg1[%get3A_19, %get3A_20, %get3A_21] : memref<2x1000x128xf32, #tpu.memory_space<vmem>>, vector<1x1000x128xf32>
    %get3A_23 = vector.shape_cast %get3A_22 : vector<1x1000x128xf32> to vector<1000x128xf32>
    %add3A_24 = arith.addf %get3A_18, %get3A_23 : vector<1000x128xf32>
    %get3A_25 = arith.constant 0 : index
    %get3A_26 = arith.constant 0 : index
    %get3A_27 = vector.load %arg2[%get3A_25, %get3A_26] : memref<1000x128xf32, #tpu.memory_space<vmem>>, vector<1000x128xf32>
    %add3A_28 = arith.addf %add3A_24, %get3A_27 : vector<1000x128xf32>
    %broadcast_in_dim3A = vector.shape_cast %rsqrt3A : vector<1000xf32> to vector<1000x1xf32>
    %mul3A = vector.broadcast %broadcast_in_dim3A : vector<1000x1xf32> to vector<1000x128xf32>
    %mul3A_29 = arith.mulf %add3A_28, %mul3A : vector<1000x128xf32>
    %get3A_30 = arith.constant 0 : index
    %get3A_31 = arith.constant 0 : index
    %get3A_32 = vector.load %arg4[%get3A_30, %get3A_31] : memref<1x128xf32, #tpu.memory_space<vmem>>, vector<1x128xf32>
    %add3A_33 = vector.broadcast %get3A_32 : vector<1x128xf32> to vector<1000x128xf32>
    %add3A_34 = arith.addf %mul3A_29, %add3A_33 : vector<1000x128xf32>
    %max3A = arith.constant 0.000000e+00 : f32
    %max3A_35 = vector.broadcast %max3A : f32 to vector<1000x128xf32>
    %max3A_36 = arith.maximumf %add3A_34, %max3A_35 : vector<1000x128xf32>
    %reduce_max3A = arith.constant dense<0xFF800000> : vector<128xf32>
    %reduce_max3A_37 = vector.multi_reduction <maximumf>, %max3A_36, %reduce_max3A [0] : vector<1000x128xf32> to vector<128xf32>
    %broadcast_in_dim3A_38 = vector.shape_cast %reduce_max3A_37 : vector<128xf32> to vector<1x128xf32>
    %get3A_39 = arith.constant 0 : index
    %get3A_40 = arith.constant 0 : index
    %get3A_41 = vector.load %arg13[%get3A_39, %get3A_40] : memref<1x128xf32, #tpu.memory_space<vmem>>, vector<1x128xf32>
    %max3A_42 = arith.maximumf %get3A_41, %broadcast_in_dim3A_38 : vector<1x128xf32>
    %swap3A = arith.constant 0 : index
    %swap3A_43 = arith.constant 0 : index
    %swap3A_44 = vector.load %arg13[%swap3A, %swap3A_43] : memref<1x128xf32, #tpu.memory_space<vmem>>, vector<1x128xf32>
    tpu.vector_store %arg13[%swap3A, %swap3A_43], %max3A_42 {strides = array<i32>} : memref<1x128xf32, #tpu.memory_space<vmem>>, vector<1x128xf32>,
    %eq3A_45 = arith.constant 9 : i32
    %eq3A_46 = arith.cmpi eq, %arg0, %eq3A_45 : i32
    %convert_element_type3A_47 = arith.extui %eq3A_46 : i1 to i32
    %cond3A_48 = arith.constant 0 : i32
    %cond3A_49 = arith.cmpi ne, %convert_element_type3A_47, %cond3A_48 : i32
    scf.if %cond3A_49 {
      %get3A_50 = arith.constant 0 : index
      %get3A_51 = arith.constant 0 : index
      %get3A_52 = vector.load %arg13[%get3A_50, %get3A_51] : memref<1x128xf32, #tpu.memory_space<vmem>>, vector<1x128xf32>
      %get3A_53 = arith.constant 0 : index
      %get3A_54 = arith.constant 0 : index
      %get3A_55 = vector.load %arg5[%get3A_53, %get3A_54] : memref<1x128xf32, #tpu.memory_space<vmem>>, vector<1x128xf32>
      %get3A_56 = arith.constant 0 : index
      %get3A_57 = arith.constant 0 : index
      %get3A_58 = vector.load %arg6[%get3A_56, %get3A_57] : memref<128x128xf32, #tpu.memory_space<vmem>>, vector<128x128xf32>
      %dot_general3A = arith.constant dense<0.000000e+00> : vector<1x128xf32>
      %dot_general3A_59 = tpu.matmul %get3A_55, %get3A_58, %dot_general3A {dimension_numbers = #tpu.dot_dimension_numbers<[1], [0], [0], [1], [0, 0, 1, 1], [], []>, transpose_lhs_hint = false} : vector<1x128xf32>, vector<128x128xf32>, vector<1x128xf32> -> vector<1x128xf32>
      %get3A_60 = arith.constant 0 : index
      %get3A_61 = arith.constant 0 : index
      %get3A_62 = vector.load %arg7[%get3A_60, %get3A_61] : memref<1x128xf32, #tpu.memory_space<vmem>>, vector<1x128xf32>
      %add3A_63 = arith.addf %dot_general3A_59, %get3A_62 : vector<1x128xf32>
      %max3A_64 = arith.constant 0.000000e+00 : f32
      %max3A_65 = vector.broadcast %max3A_64 : f32 to vector<1x128xf32>
      %max3A_66 = arith.maximumf %add3A_63, %max3A_65 : vector<1x128xf32>
      %concatenate3A = tpu.concatenate %max3A_66, %get3A_52 in 1 : vector<1x128xf32>, vector<1x128xf32> -> vector<1x256xf32>
      %get3A_67 = arith.constant 0 : index
      %get3A_68 = arith.constant 0 : index
      %get3A_69 = vector.load %arg8[%get3A_67, %get3A_68] : memref<256x128xf32, #tpu.memory_space<vmem>>, vector<256x128xf32>
      %dot_general3A_70 = arith.constant dense<0.000000e+00> : vector<1x128xf32>
      %dot_general3A_71 = tpu.matmul %concatenate3A, %get3A_69, %dot_general3A_70 {dimension_numbers = #tpu.dot_dimension_numbers<[1], [0], [0], [1], [0, 0, 1, 1], [], []>, transpose_lhs_hint = false} : vector<1x256xf32>, vector<256x128xf32>, vector<1x128xf32> -> vector<1x128xf32>
      %get3A_72 = arith.constant 0 : index
      %get3A_73 = arith.constant 0 : index
      %get3A_74 = vector.load %arg9[%get3A_72, %get3A_73] : memref<1x128xf32, #tpu.memory_space<vmem>>, vector<1x128xf32>
      %add3A_75 = arith.addf %dot_general3A_71, %get3A_74 : vector<1x128xf32>
      %max3A_76 = arith.constant 0.000000e+00 : f32
      %max3A_77 = vector.broadcast %max3A_76 : f32 to vector<1x128xf32>
      %max3A_78 = arith.maximumf %add3A_75, %max3A_77 : vector<1x128xf32>
      %get3A_79 = arith.constant 0 : index
      %get3A_80 = arith.constant 0 : index
      %get3A_81 = vector.load %arg10[%get3A_79, %get3A_80] : memref<128x128xf32, #tpu.memory_space<vmem>>, vector<128x128xf32>
      %dot_general3A_82 = arith.constant dense<0.000000e+00> : vector<1x128xf32>
      %dot_general3A_83 = tpu.matmul %max3A_78, %get3A_81, %dot_general3A_82 {dimension_numbers = #tpu.dot_dimension_numbers<[1], [0], [0], [1], [0, 0, 1, 1], [], []>, transpose_lhs_hint = false} : vector<1x128xf32>, vector<128x128xf32>, vector<1x128xf32> -> vector<1x128xf32>
      %get3A_84 = arith.constant 0 : index
      %get3A_85 = arith.constant 0 : index
      %get3A_86 = vector.load %arg11[%get3A_84, %get3A_85] : memref<1x128xf32, #tpu.memory_space<vmem>>, vector<1x128xf32>
      %add3A_87 = arith.addf %dot_general3A_83, %get3A_86 : vector<1x128xf32>
      %swap3A_88 = arith.constant 0 : index
      %swap3A_89 = arith.constant 0 : index
      %swap3A_90 = vector.load %arg12[%swap3A_88, %swap3A_89] : memref<1x128xf32, #tpu.memory_space<vmem>>, vector<1x128xf32>
      tpu.vector_store %arg12[%swap3A_88, %swap3A_89], %add3A_87 {strides = array<i32>} : memref<1x128xf32, #tpu.memory_space<vmem>>, vector<1x128xf32>,
    } else {
    }
    return
  }
  func.func @transform_0(%arg0: i32) -> (i32, i32, i32) {
    %c0_i32 = arith.constant 0 : i32
    %c0_i32_0 = arith.constant 0 : i32
    %c0_i32_1 = arith.constant 0 : i32
    return %c0_i32, %arg0, %c0_i32_0 : i32, i32, i32
  }
  func.func @transform_1(%arg0: i32) -> (i32, i32) {
    %c0_i32 = arith.constant 0 : i32
    %c0_i32_0 = arith.constant 0 : i32
    return %arg0, %c0_i32 : i32, i32
  }
  func.func @transform_2(%arg0: i32) -> (i32, i32, i32) {
    %c0_i32 = arith.constant 0 : i32
    %c0_i32_0 = arith.constant 0 : i32
    %c0_i32_1 = arith.constant 0 : i32
    return %c0_i32, %arg0, %c0_i32_0 : i32, i32, i32
  }
  func.func @transform_3(%arg0: i32) -> (i32, i32) {
    %c0_i32 = arith.constant 0 : i32
    %c0_i32_0 = arith.constant 0 : i32
    %c0_i32_1 = arith.constant 0 : i32
    return %c0_i32, %c0_i32_0 : i32, i32
  }
  func.func @transform_4(%arg0: i32) -> (i32, i32) {
    %c0_i32 = arith.constant 0 : i32
    %c0_i32_0 = arith.constant 0 : i32
    %c0_i32_1 = arith.constant 0 : i32
    return %c0_i32, %c0_i32_0 : i32, i32
  }
  func.func @transform_5(%arg0: i32) -> (i32, i32) {
    %c0_i32 = arith.constant 0 : i32
    %c0_i32_0 = arith.constant 0 : i32
    %c0_i32_1 = arith.constant 0 : i32
    return %c0_i32, %c0_i32_0 : i32, i32
  }
  func.func @transform_6(%arg0: i32) -> (i32, i32) {
    %c0_i32 = arith.constant 0 : i32
    %c0_i32_0 = arith.constant 0 : i32
    %c0_i32_1 = arith.constant 0 : i32
    return %c0_i32, %c0_i32_0 : i32, i32
  }
  func.func @transform_7(%arg0: i32) -> (i32, i32) {
    %c0_i32 = arith.constant 0 : i32
    %c0_i32_0 = arith.constant 0 : i32
    %c0_i32_1 = arith.constant 0 : i32
    return %c0_i32, %c0_i32_0 : i32, i32
  }
  func.func @transform_8(%arg0: i32) -> (i32, i32) {
    %c0_i32 = arith.constant 0 : i32
    %c0_i32_0 = arith.constant 0 : i32
    %c0_i32_1 = arith.constant 0 : i32
    return %c0_i32, %c0_i32_0 : i32, i32
  }
  func.func @transform_9(%arg0: i32) -> (i32, i32) {
    %c0_i32 = arith.constant 0 : i32
    %c0_i32_0 = arith.constant 0 : i32
    %c0_i32_1 = arith.constant 0 : i32
    return %c0_i32, %c0_i32_0 : i32, i32
  }
  func.func @transform_10(%arg0: i32) -> (i32, i32) {
    %c0_i32 = arith.constant 0 : i32
    %c0_i32_0 = arith.constant 0 : i32
    %c0_i32_1 = arith.constant 0 : i32
    return %c0_i32, %c0_i32_0 : i32, i32
  }
  func.func @transform_11(%arg0: i32) -> (i32, i32) {
    %c0_i32 = arith.constant 0 : i32
    %c0_i32_0 = arith.constant 0 : i32
    %c0_i32_1 = arith.constant 0 : i32
    return %c0_i32, %c0_i32_0 : i32, i32
  }
}

module attributes {stable_mosaic.version = 14 : i64} {
  func.func @_mm_body(%arg0: i32, %arg1: memref<1000x128xf32, #tpu.memory_space<vmem>>, %arg2: memref<128x128xf32, #tpu.memory_space<vmem>>, %arg3: memref<2x1000x8xf32, #tpu.memory_space<vmem>>, %arg4: memref<1000x128xf32, #tpu.memory_space<vmem>>) attributes {dimension_semantics = [#tpu.dimension_semantics<arbitrary>], iteration_bounds = array<i64: 10>, scalar_prefetch = 0 : i64, scratch_operands = 0 : i64, tpu.core_type = #tpu.core_type<tc>, window_params = [{transform_indices = @transform_0, window_bounds = array<i64: 1000, 128>}, {pipeline_mode = #tpu.pipeline_mode<synchronous>, transform_indices = @transform_1, window_bounds = array<i64: 128, 128>}, {transform_indices = @transform_2, window_bounds = array<i64: 2, 1000, 8>}, {transform_indices = @transform_3, window_bounds = array<i64: 1000, 128>}]} {
    %get3A = arith.constant 0 : index
    %get3A_0 = arith.constant 0 : index
    %get3A_1 = arith.constant 0 : index
    %get3A_2 = vector.load %arg3[%get3A, %get3A_0, %get3A_1] : memref<2x1000x8xf32, #tpu.memory_space<vmem>>, vector<1x1000x1xf32>
    %get3A_3 = vector.shape_cast %get3A_2 : vector<1x1000x1xf32> to vector<1000xf32>
    %add3A = arith.constant 1.000000e+00 : f32
    %add3A_4 = vector.broadcast %add3A : f32 to vector<1000xf32>
    %add3A_5 = arith.addf %add3A_4, %get3A_3 : vector<1000xf32>
    %get3A_6 = arith.constant 1 : index
    %get3A_7 = arith.constant 0 : index
    %get3A_8 = arith.constant 0 : index
    %get3A_9 = vector.load %arg3[%get3A_6, %get3A_7, %get3A_8] : memref<2x1000x8xf32, #tpu.memory_space<vmem>>, vector<1x1000x1xf32>
    %get3A_10 = vector.shape_cast %get3A_9 : vector<1x1000x1xf32> to vector<1000xf32>
    %add3A_11 = arith.addf %add3A_5, %get3A_10 : vector<1000xf32>
    %rsqrt3A = math.rsqrt %add3A_11 : vector<1000xf32>
    %get3A_12 = arith.constant 0 : index
    %get3A_13 = arith.constant 0 : index
    %get3A_14 = vector.load %arg1[%get3A_12, %get3A_13] : memref<1000x128xf32, #tpu.memory_space<vmem>>, vector<1000x128xf32>
    %get3A_15 = arith.constant 0 : index
    %get3A_16 = arith.constant 0 : index
    %get3A_17 = vector.load %arg2[%get3A_15, %get3A_16] : memref<128x128xf32, #tpu.memory_space<vmem>>, vector<128x128xf32>
    %dot_general3A = arith.constant dense<0.000000e+00> : vector<1000x128xf32>
    %dot_general3A_18 = tpu.matmul %get3A_14, %get3A_17, %dot_general3A {dimension_numbers = #tpu.dot_dimension_numbers<[1], [0], [0], [1], [0, 0, 1, 1], [], []>, transpose_lhs_hint = false} : vector<1000x128xf32>, vector<128x128xf32>, vector<1000x128xf32> -> vector<1000x128xf32>
    %broadcast_in_dim3A = vector.shape_cast %rsqrt3A : vector<1000xf32> to vector<1000x1xf32>
    %mul3A = vector.broadcast %broadcast_in_dim3A : vector<1000x1xf32> to vector<1000x128xf32>
    %mul3A_19 = arith.mulf %dot_general3A_18, %mul3A : vector<1000x128xf32>
    %swap3A = arith.constant 0 : index
    %swap3A_20 = arith.constant 0 : index
    %swap3A_21 = vector.load %arg4[%swap3A, %swap3A_20] : memref<1000x128xf32, #tpu.memory_space<vmem>>, vector<1000x128xf32>
    tpu.vector_store %arg4[%swap3A, %swap3A_20], %mul3A_19 {strides = array<i32>} : memref<1000x128xf32, #tpu.memory_space<vmem>>, vector<1000x128xf32>,
    return
  }
  func.func @transform_0(%arg0: i32) -> (i32, i32) {
    %c0_i32 = arith.constant 0 : i32
    %c0_i32_0 = arith.constant 0 : i32
    return %arg0, %c0_i32 : i32, i32
  }
  func.func @transform_1(%arg0: i32) -> (i32, i32) {
    %c0_i32 = arith.constant 0 : i32
    %c0_i32_0 = arith.constant 0 : i32
    %c0_i32_1 = arith.constant 0 : i32
    return %c0_i32, %c0_i32_0 : i32, i32
  }
  func.func @transform_2(%arg0: i32) -> (i32, i32, i32) {
    %c0_i32 = arith.constant 0 : i32
    %c0_i32_0 = arith.constant 0 : i32
    %c0_i32_1 = arith.constant 0 : i32
    return %c0_i32, %arg0, %c0_i32_0 : i32, i32, i32
  }
  func.func @transform_3(%arg0: i32) -> (i32, i32) {
    %c0_i32 = arith.constant 0 : i32
    %c0_i32_0 = arith.constant 0 : i32
    return %arg0, %c0_i32 : i32, i32
  }
}

</mosaic_0001>

<sc_bundles>
// kernel: kernel.6.cloned.1.call-start
scs
__scs_entry_jumppad:
0x0: {  	(pc) =	sbr.rel $0x88, $3  }
0x1: {  	(tag) =	ssettag $0x0;
	lr =	simm.s32 $0x1  }
0x2: {  	[smem:$0x3F97] =	sst lr;
	_ =	strace $0xD0000000  }
0x3: {  	_ = 	snop  }
0x4: {  	_ = 	snop  }
0x5: {  	_ = 	snop  }
0x6: {  	_ = 	snop  }
0x7: {  	_ = 	snop  }
__scs_overlays_trampoline_lowered:
0x8: {  	[smem:$0x3FA6] =	sst s0  }
0x9: {  	[smem:$0x3FA7] =	sst s1  }
0xa: {  	[smem:$0x3FA8] =	sst s2  }
0xb: {  	[smem:$0x3FA9] =	sst s3  }
0xc: {  	[smem:$0x3FAA] =	sst s4  }
0xd: {  	[smem:$0x3FAB] =	sst s5  }
0xe: {  	[smem:$0x3FAC] =	sst s6  }
0xf: {  	[smem:$0x3FAD] =	sst s7  }
0x10: {  	[smem:$0x3FAE] =	sst s8  }
0x11: {  	[smem:$0x3FAF] =	sst s9;
	s0 =	simm.s32 @!p0 $0x0  }
0x12: {  	s1 =	sld [smem:$0x3F95];
	s0 =	simm.s32 @p0 $0x1  }
0x13: {  	[smem:$0x3FB0] =	sst s0;
	s0 =	simm.s32 @!p1 $0x0  }
0x14: {  	s2 =	sld [smem:$0x3F94];
	s0 =	simm.s32 @p1 $0x1  }
0x15: {  	[smem:$0x3FB1] =	sst s0;
	s0 =	simm.s32 @!p2 $0x0  }
0x16: {  	s3 =	sld [smem:$0x3FDB];
	s0 =	simm.s32 @p2 $0x1  }
0x17: {  	s4 =	simm.s32 $0x1BF5;
	[smem:$0x3FB3] =	sst s0  }
0x18: {  	s0 =	sld [smem:$0x3F96];
	_ =	swait.ge [sflag:s4], $0x0  }
0x19: {  	s7 =	sld [smem:$0x3F97]  }
0x1a: {  	s8 =	sadd.s32 $0xFFFFE003, lr  }
0x1b: {  	s9 =	sadd.s32 $0xFFFFFEF7, lr;
	s5 =	simm.s32 $0xFFFFFFFF;
	p2 =	slt.u32 s8, $0xFFFFF086  }
0x1c: {  	p1 =	slt.u32 s9, $0xF7A;
	s5 =	simm.s32 @!p2 $0x0  }
0x1d: {  	s5 =	simm.s32 @p1 $0x1;
	p0 =	seq.s32 s7, s2  }
0x1e: {  	s7 =	smul.u32 @!p0 $0xF7A, s2;
	p2 =	seq.s32 @!p0 s5, $0x0  }
0x1f: {  	s9 =	smul.u32 $0xF7A, s1;
	s8 =	simm.s32 @!p0 $0x1BF5;
	p2 =	por !p2, p0  }
0x20: {  	[sflag:s8] =	ssyncset.s32 @!p0 $0xFFFFF086;
	s6 =	sadd.s32 @!p0 s3, s7;
	s7 =	simm.s32 @!p0 $0x108  }
0x21: {  	s3 =	sadd.s32 s3, s9;
	s6 =	sadd.s32 @!p0 $0x88, s6;
	s7 =	simm.s32 @p2 $0x1082  }
0x22: {  	[simem:s7], [sflag:s8] =	dma.local @!p0 [hbm:s6], $0xF7A  }
0x23: {  	s9 =	sor.u32 $0xD0000000, s2;
	s6 =	simm.s32 $0x108;
	_ =	swait.ge @!p0 [sflag:s8], $0x0  }
0x24: {  	s3 =	sadd.s32 $0x88, s3;
	s6 =	simm.s32 @!p1 $0x1082;
	[sflag:s4] =	ssyncset.s32 $0xFFFFF086  }
0x25: {  	[simem:s6], [sflag:s4] =	dma.local [hbm:s3], $0xF7A  }
0x26: {  	[smem:$0x3F97] =	sst s1;
	(tag) =	ssettag s2;
	_ =	strace s9  }
0x27: {  	s1 =	sld [smem:$0x3FA7]  }
0x28: {  	s2 =	sld [smem:$0x3FA8]  }
0x29: {  	s4 =	sld [smem:$0x3FAA]  }
0x2a: {  	p0 =	seq.s32 s5, $0x0;
	s5 =	sld [smem:$0x3FAB]  }
0x2b: {  	s6 =	sld [smem:$0x3FAC]  }
0x2c: {  	s7 =	sld [smem:$0x3FAD]  }
0x2d: {  	s3 =	simm.s32 $0x108;
	s8 =	sld [smem:$0x3FAE]  }
0x2e: {  	s3 =	simm.s32 @!p0 $0x1082;
	s9 =	sld [smem:$0x3FAF]  }
0x2f: {  	lr =	sadd.s32 s0, s3;
	s0 =	sld [smem:$0x3FA6]  }
0x30: {  	s3 =	sld [smem:$0x3FA9]  }
0x31: {  	[smem:$0x3FB2] =	sst s10  }
0x32: {  	s10 =	sld [smem:$0x3FB0];
	_ =	sdelay $0x3  }
0x33: {  	p0 =	seq.s32 s10, $0x1;
	s10 =	sld [smem:$0x3FB2];
	_ =	sdelay $0x3  }
0x34: {  	[smem:$0x3FB2] =	sst s10  }
0x35: {  	s10 =	sld [smem:$0x3FB1];
	_ =	sdelay $0x3  }
0x36: {  	p1 =	seq.s32 s10, $0x1;
	s10 =	sld [smem:$0x3FB2];
	_ =	sdelay $0x3  }
0x37: {  	[smem:$0x3FB2] =	sst s10  }
0x38: {  	s10 =	sld [smem:$0x3FB3]  }
0x39: {  	_ = 	snop;
	(pc) =	sbr.ind lr, $3  }
0x3a: {  	_ = 	snop  }
0x3b: {  	_ = 	snop  }
0x3c: {  	p2 =	seq.s32 s10, $0x1;
	s10 =	sld [smem:$0x3FB2]  }
0x3d: {  	_ =	shalt  }
0x3e: {  	_ =	shalt  }
0x3f: {  	_ =	shalt  }
0x40: {  	_ =	shalt  }
0x41: {  	_ =	shalt  }
0x42: {  	_ =	shalt  }
0x43: {  	_ =	shalt  }
0x44: {  	_ =	shalt  }
0x45: {  	_ =	shalt  }
0x46: {  	_ =	shalt  }
0x47: {  	_ =	shalt  }
0x48: {  	_ =	shalt  }
0x49: {  	_ =	shalt  }
0x4a: {  	_ =	shalt  }
0x4b: {  	_ =	shalt  }
0x4c: {  	_ =	shalt  }
0x4d: {  	_ =	shalt  }
0x4e: {  	_ =	shalt  }
0x4f: {  	_ =	shalt  }
0x50: {  	_ =	shalt  }
0x51: {  	_ =	shalt  }
0x52: {  	_ =	shalt  }
0x53: {  	_ =	shalt  }
0x54: {  	_ =	shalt  }
0x55: {  	_ =	shalt  }
0x56: {  	_ =	shalt  }
0x57: {  	_ =	shalt  }
0x58: {  	_ =	shalt  }
0x59: {  	_ =	shalt  }
0x5a: {  	_ =	shalt  }
0x5b: {  	_ =	shalt  }
0x5c: {  	_ =	shalt  }
0x5d: {  	_ =	shalt  }
0x5e: {  	_ =	shalt  }
0x5f: {  	_ =	shalt  }
0x60: {  	_ =	shalt  }
0x61: {  	_ =	shalt  }
0x62: {  	_ =	shalt  }
0x63: {  	_ =	shalt  }
0x64: {  	_ =	shalt  }
0x65: {  	_ =	shalt  }
0x66: {  	_ =	shalt  }
0x67: {  	_ =	shalt  }
0x68: {  	_ =	shalt  }
0x69: {  	_ =	shalt  }
0x6a: {  	_ =	shalt  }
0x6b: {  	_ =	shalt  }
0x6c: {  	_ =	shalt  }
0x6d: {  	_ =	shalt  }
0x6e: {  	_ =	shalt  }
0x6f: {  	_ =	shalt  }
0x70: {  	_ =	shalt  }
0x71: {  	_ =	shalt  }
0x72: {  	_ =	shalt  }
0x73: {  	_ =	shalt  }
0x74: {  	_ =	shalt  }
0x75: {  	_ =	shalt  }
0x76: {  	_ =	shalt  }
0x77: {  	_ =	shalt  }
0x78: {  	_ =	shalt  }
0x79: {  	_ =	shalt  }
0x7a: {  	_ =	shalt  }
0x7b: {  	_ =	shalt  }
0x7c: {  	_ =	shalt  }
0x7d: {  	_ =	shalt  }
0x7e: {  	_ =	shalt  }
0x7f: {  	_ =	shalt  }
0x80: {  	_ =	shalt  }
0x81: {  	_ =	shalt  }
0x82: {  	_ =	shalt  }
0x83: {  	_ =	shalt  }
0x84: {  	_ =	shalt  }
0x85: {  	_ =	shalt  }
0x86: {  	_ =	shalt  }
0x87: {  	_ =	shalt  }
.Lfunc_end0:
.L_simem_size_0:
called_computation_lowered:
.L_overlay_start_0:
0x88: {  	s2 =	sld [smem:$0x3FD9]  }
0x89: {  	s3 =	sld [smem:$0x3FFE];
	_ =	sdelay $0x1  }
0x8a: {  	s1 =	srdreg.scid  }
0x8b: {  	s0 =	sand.u32 $0x1, s1  }
0x8c: {  	s16 =	sshll.u32 s0, $0xA;
	s2 =	sadd.s32 s3, s2  }
0x8d: {  	s2 =	sadd.s32 s2, s16  }
0x8e: {  	[smem:$0x3FBE] =	sst s2  }
0x8f: {  	_ = 	snop  }
0x90: {  	(tm) =	ssettm $0x1  }
0x91: {  	s17 =	sld [smem:$0x3FFB];
	_ =	sdelay $0x3  }
0x92: {  	_ =	strace s17  }
0x93: {  	s2 =	sld [smem:$0x3FFC];
	_ =	sdelay $0x3  }
0x94: {  	_ =	strace s2  }
0x95: {  	s2 =	sld [smem:$0x3FFD];
	_ =	sdelay $0x3  }
0x96: {  	_ =	strace s2  }
0x97: {  	_ =	strace $0x8FFFFFFF  }
0x98: {  	s18 =	sld [smem:$0x3FDB];
	_ =	sdelay $0x1  }
0x99: {  	s19 =	simm.s32 $_scs_section_size  }
0x9a: {  	s4 =	simm.s32 $_size__tile_overlayer_lowered;
	s5 =	simm.s32 $_tile_overlayer_lowered  }
0x9b: {  	s22 =	simm.s32 $0x1BFF;
	s21 =	sshll.u32 s5, $0x1;
	s2 =	sadd.s32 s19, s18  }
0x9c: {  	s6 =	simm.s32 $0x0;
	s20 =	sshll.u32 s4, $0x1;
	s4 =	sadd.s32 s21, s2  }
0x9d: {  	[timem:s6], [sflag:s22] =	dma.local [hbm:s4], s20  }
0x9e: {  	_ =	swait.ge [sflag:s22], s20  }
0x9f: {  	s3 =	ssub.s32 $0x0, s20;
	[sflag:s22] =	ssyncset.done $0x0  }
0xa0: {  	[sflag:s22] =	ssyncadd.s32 s3;
	_ =	sdelay $0x1  }
0xa1: {  	s23 =	simm.s32 $0x1B8B  }
0xa2: {  	_ =	swait.ge [sflag:s23], $0x1  }
0xa3: {  	[sflag:s23] =	ssyncset.done $0x0  }
0xa4: {  	s25 =	simm.s32 $0x1B8E;
	s24 =	sld [smem:$0x3FFE];
	[sflag:s23] =	ssyncadd.s32 $0xFFFFFFFF  }
0xa5: {  	s26 =	simm.s32 $execute0_lowered;
	[smem:$0x3FD2] =	sst s25  }
0xa6: {  	s4 =	sshll.u32 s26, $0x1;
	_ =	strace $0x80000046;
	[dreg:$0x1] =	wrdreg $0xFFFFFFFF  }
0xa7: {  	s28 =	simm.s32 $_size_execute0_lowered;
	s2 =	sadd.s32 s2, s4;
	[dreg:$0x0] =	wrdreg $0x0  }
0xa8: {  	s4 =	sshll.u32 s28, $0x1;
	[dreg:$0x2] =	wrdreg s2  }
0xa9: {  	[dreg:$0x3] =	wrdreg s4  }
0xaa: {  	[dreg:$0x4] =	wrdreg $0xC0  }
0xab: {  	_ =	task [dreg:s6], $0x5FFFF  }
0xac: {  	[dreg:$0x1] =	wrdreg $0xFFFFFFFF  }
0xad: {  	[dreg:$0x0] =	wrdreg $0x60  }
0xae: {  	[dreg:$0x2] =	wrdreg s24  }
0xaf: {  	[dreg:$0x3] =	wrdreg $0x67800  }
0xb0: {  	[dreg:$0x4] =	wrdreg $0x9  }
0xb1: {  	_ =	task.clear_ibuf [dreg:s6], $0x5FFFF;
	_ =	strace $0x90000046  }
0xb2: {  	s29 =	simm.s32 $0x9;
	_ =	strace $0x80000048  }
0xb3: {  	_ =	swait.ge [sflag:s29], $0x1  }
0xb4: {  	[sflag:s29] =	ssyncadd.s32 $0xFFFFFFFF  }
0xb5: {  	_ =	strace $0x90000048  }
0xb6: {  	_ =	sfence  }
0xb7: {  	s30 =	sld [smem:$0x0];
	_ =	sdelay $0x2  }
0xb8: {  	s31 =	sshll.u32 s1, $0xD;
	s1 =	sshrl.u32 s1, $0x2  }
0xb9: {  	s3 =	sand.u32 $0x4000, s31;
	s1 =	sadd.s32 s1, s30  }
0xba: {  	s0 =	sor.u32 s3, s0;
	s1 =	sshll.u32 s1, $0x11  }
0xbb: {  	s0 =	sor.u32 s1, s0  }
0xbc: {  	s0 =	sadd.s32 $0x8F2B, s0  }
0xbd: {  	[sflag:s0] =	ssyncadd.remote.s32 $0x1  }
0xbe: {  	_ =	sfence.sel $0xFFFF  }
0xbf: {  	[dreg:$0x0] =	wrdreg $0xFFFFFFFF;
	(pc) =	sbr.abs _section_cstart, $3  }
0xc0: {  	[dreg:$0x1] =	wrdreg $0xFFFFFFFF  }
0xc1: {  	_ =	task.clear_ibuf [dreg:s6], $0x2FFFF;
	_ =	strace $0x9FFFFFFF  }
0xc2: {  	(tm) =	ssettm $0x7FFFFFFF  }
0xc3: {  	_ =	shalt  }
tec
execute0_lowered:
.L_overlay_start_1:
0x0: {  	(tag) =	ssettag $0x1  }
0x1: {  	s6 =	rddreg [dreg:$0x0]  }
0x2: {  	s1 =	srdreg.scid;
	s0 =	stileid.u32  }
0x3: {  	s2 =	rddreg [dreg:$0x1];
	s3 =	simm.s32 $0x0;
	s15 =	simm.s32 $0x1  }
0x4: {  	s16 =	simm.s32 $0x0;
	s7 =	sand.u32 $0x1, s1;
	s1 =	rddreg [dreg:$0x2]  }
0x5: {  	s4 =	sshll.u32 s0, $0x1;
	[smem:$0x7FF] =	sst s3;
	s9 =	smul.u32 $0x4E000, s0  }
0x6: {  	s5 =	sadd.s32 $0x18C00, s6;
	s12 =	smul.u32 $0x13800, s0;
	s13 =	sadd.s32 $0x19400, s6  }
0x7: {  	p0 =	seq.s32 s0, $0xF;
	s4 =	sor.u32 s7, s4;
	s10 =	ssub.s32 $0x2, s7  }
0x8: {  	_ =	strace $0x80000047;
	s7 =	smul.u32 $0x138800, s7;
	s11 =	sshrl.u32 s10, $0x1  }
0x9: {  	s4 =	smul.u32 $0x4E2, s4;
	s9 =	sshrl.u32 s9, $0x2;
	s10 =	ssub.s32 s10, s11  }
0xa: {  	s14 =	sadd.s32 s9, s2;
	s11 =	sadd.s32 $0x124800, s2;
	s29 =	sadd.s32 s12, s7  }
0xb: {  	s7 =	sshrl.u32 s7, $0x3;
	s8 =	sadd.s32 s4, s6;
	s4 =	sadd.s32 $0x16200, s6  }
0xc: {  	s30 =	sshrl.u32 s29, $0x3;
	s31 =	sadd.s32 s13, s7;
	s9 =	smax.u32 s10, $0x1  }
0xd: {  	s10 =	sshrl.u32 @p0 s11, $0x3;
	s11 =	sshll.u32 @!p0 s0, $0x6;
	s12 =	sshrl.u32 @!p0 s14, $0x3  }
0xe: {  	s14 =	simm.s32 $0x80;
	s6 =	sadd.s32 $0x2600, s8;
	s7 =	sadd.s32 s13, s30  }
0xf: {  	v0 =	vimm.s32 $0x2710;
	s8 =	sadd.s32 $0x24900, s31;
	s11 =	sor.u32 @!p0 $0x1C02, s11;
	s13 =	simm.s32 $0x2  }
.LBB2_1:
0x10: {  	s17 =	simm.s32 @p0 $0x1FC2  }
0x11: {  	[spmem:s10], [sflag:s17] =	dma.local @p0 [hbm:s4], $0x2880  }
0x12: {  	s17 =	simm.s32 @p0 $0x2  }
0x13: {  	_ =	swait.ge @p0 [sflag:s17], $0x2880  }
0x14: {  	[sflag:s17] =	ssyncset.done @p0 $0x0  }
0x15: {  	[sflag:s17] =	ssyncadd.s32 @p0 $0xFFFFD780;
	s17 =	simm.s32 @!p0 $0x2  }
0x16: {  	[spmem:s12], [sflag:s11] =	dma.local @!p0 [hbm:s4], $0x2700  }
0x17: {  	_ =	swait.ge @!p0 [sflag:s17], $0x2700  }
0x18: {  	[sflag:s17] =	ssyncset.done @!p0 $0x0  }
0x19: {  	[sflag:s17] =	ssyncadd.s32 @!p0 $0xFFFFD900  }
0x1a: {  	[tilespmem:s3], [sflag:$0x2] =	stream.linear.gather [hbm4b:s5+s3], $0x4000, $0x38;
	[tilespmem:$0x7B10] =	vst v63  }
0x1b: {  	_ =	swait.ge [sflag:s13], $0x4000  }
0x1c: {  	[sflag:s13] =	ssyncset.done $0x0  }
0x1d: {  	s17 =	simm.s32 $0x4000;
	[sflag:s13] =	ssyncadd.s32 $0xFFFFC000  }
0x1e: {  	[tilespmem:s17], [sflag:$0x2] =	stream.linear.gather [hbm4b:s6+s3], $0x2710, $0x38;
	[tilespmem:$0x7B10] =	vst v63  }
0x1f: {  	_ =	swait.ge [sflag:s13], $0x2710  }
0x20: {  	[sflag:s13] =	ssyncset.done $0x0  }
0x21: {  	[sflag:s13] =	ssyncadd.s32 $0xFFFFD8F0  }
0x22: {  	[tilespmem:$0x6710] =	vst v0  }
0x23: {  	[tilespmem:$0x6720] =	vst v0  }
0x24: {  	[tilespmem:$0x6730] =	vst v0  }
0x25: {  	[tilespmem:$0x6740] =	vst v0  }
0x26: {  	[tilespmem:$0x6750] =	vst v0  }
0x27: {  	[tilespmem:$0x6760] =	vst v0  }
0x28: {  	p1 =	por $0x1, $0x1;
	[tilespmem:$0x6770] =	vst v0  }
0x29: {  	s19 =	simm.s32 @!p1 $0x1;
	[bflag:$0x0] =	sbarrier.arrive $0xFFFF  }
0x2a: {  	[spmem:s2] =	stream.indirect.scatter.add.f32 [tilespmem:s3], [sflag:$0x1], $0x8, s17, s14, $0xb8;
	[tilespmem:$0x7B10] =	vst v63  }
0x2b: {  	_ =	swait.ge @!p1 [sflag:s19], $0x400  }
0x2c: {  	s18 =	simm.s32 $0x1;
	[sflag:s19] =	ssyncset.done @!p1 $0x0  }
.LBB2_2:
0x2d: {  	[sflag:s19] =	ssyncadd.s32 @!p1 $0xFFFFFC00  }
0x2e: {  	s17 =	sadd.s32 $0x80, s17;
	s19 =	smov.u32 s18;
	s18 =	sadd.s32 $0x1, s18  }
0x2f: {  	p2 =	sne.s32 s18, $0x4F  }
0x30: {  	[spmem:s2] =	stream.indirect.scatter.add.f32 [tilespmem:s3], [sflag:$0x1], $0x8, s17, s14, $0xb8;
	[tilespmem:$0x7B10] =	vst v63  }
.Ltmp0:
0x31: {  	_ = 	snop;
	(pc) =	sbr.rel @p2 .LBB2_2-.Ltmp0, $4  }
0x32: {  	p1 =	slt.u32 s19, $0x8  }
0x33: {  	s19 =	simm.s32 @!p1 $0x1  }
0x34: {  	_ =	swait.ge @!p1 [sflag:s19], $0x400  }
0x35: {  	[sflag:s19] =	ssyncset.done @!p1 $0x0  }
0x36: {  	[sflag:s19] =	ssyncadd.s32 @!p1 $0xFFFFFC00  }
0x37: {  	_ =	swait.ge [sflag:s15], $0x400  }
0x38: {  	[sflag:s15] =	ssyncset.done $0x0  }
0x39: {  	[sflag:s15] =	ssyncadd.s32 $0xFFFFFC00  }
0x3a: {  	_ =	swait.ge [sflag:s15], $0x400  }
0x3b: {  	[sflag:s15] =	ssyncset.done $0x0  }
0x3c: {  	[sflag:s15] =	ssyncadd.s32 $0xFFFFFC00  }
0x3d: {  	_ =	swait.ge [sflag:s15], $0x400  }
0x3e: {  	[sflag:s15] =	ssyncset.done $0x0  }
0x3f: {  	[sflag:s15] =	ssyncadd.s32 $0xFFFFFC00  }
0x40: {  	_ =	swait.ge [sflag:s15], $0x400  }
0x41: {  	[sflag:s15] =	ssyncset.done $0x0  }
0x42: {  	[sflag:s15] =	ssyncadd.s32 $0xFFFFFC00  }
0x43: {  	_ =	swait.ge [sflag:s15], $0x400  }
0x44: {  	[sflag:s15] =	ssyncset.done $0x0  }
0x45: {  	[sflag:s15] =	ssyncadd.s32 $0xFFFFFC00  }
0x46: {  	_ =	swait.ge [sflag:s15], $0x400  }
0x47: {  	[sflag:s15] =	ssyncset.done $0x0  }
0x48: {  	[sflag:s15] =	ssyncadd.s32 $0xFFFFFC00  }
0x49: {  	_ =	swait.ge [sflag:s15], $0x400  }
0x4a: {  	[sflag:s15] =	ssyncset.done $0x0  }
0x4b: {  	[sflag:s15] =	ssyncadd.s32 $0xFFFFFC00  }
0x4c: {  	_ =	swait.ge [sflag:s15], $0x400  }
0x4d: {  	[sflag:s15] =	ssyncset.done $0x0  }
0x4e: {  	[sflag:s15] =	ssyncadd.s32 $0xFFFFFC00  }
0x4f: {  	s17 =	simm.s32 @p0 $0x1FC2;
	[bflag:$0x0] =	sbarrier.arrive $0xFFFF  }
0x50: {  	[hbm:s8], [sflag:s17] =	dma.local @p0 [spmem:s10], $0x2800  }
0x51: {  	s17 =	simm.s32 @p0 $0x2  }
0x52: {  	s16 =	sadd.s32 $0x1, s16;
	_ =	swait.ge @p0 [sflag:s17], $0x2800  }
0x53: {  	p1 =	sne.s32 s16, s9;
	[sflag:s17] =	ssyncset.done @p0 $0x0  }
.Ltmp1:
0x54: {  	[sflag:s17] =	ssyncadd.s32 @p0 $0xFFFFD800;
	s17 =	simm.s32 @!p0 $0x2;
	(pc) =	sbr.rel @p1 .LBB2_1-.Ltmp1, $4  }
0x55: {  	[hbm:s7], [sflag:s11] =	dma.local @!p0 [spmem:s12], $0x2700  }
0x56: {  	_ =	swait.ge @!p0 [sflag:s17], $0x2700  }
0x57: {  	[sflag:s17] =	ssyncset.done @!p0 $0x0  }
0x58: {  	[sflag:s17] =	ssyncadd.s32 @!p0 $0xFFFFD900  }
0x59: {  	_ =	sfence.sel $0x180000  }
0x5a: {  	[bflag:$0x0] =	sbarrier.arrive $0xFFFF  }
0x5b: {  	p0 =	sne.s32 s0, $0x0;
	_ =	strace $0x90000047  }
0x5c: {  	s0 =	sadd.s32 @!p0 $0x100000, s1;
	[bflag:$0x2] =	sbarrier.arrive $0xFFFF  }
0x5d: {  	[sflag:s0] =	ssyncadd.tile.s32 @!p0 $0x1;
	_ =	shalt  }
.Lfunc_end2:
_tile_overlayer_lowered:
.L_overlay_start_2:
0x5e: {  	(tag) =	ssettag $0x2  }
0x5f: {  	s0 =	rddreg [dreg:$0x0];
	s2 =	stileid.u32  }
0x60: {  	s1 =	rddreg [dreg:$0x1];
	p0 =	sne.s32 s2, $0x0  }
0x61: {  	s3 =	rddreg [dreg:$0x2];
	[bflag:$0x3] =	sbarrier.arrive $0xFFFF;
	s2 =	simm.s32 @!p0 $0x1C02  }
0x62: {  	[timem:s3], [sflag:s2] =	dma.local @!p0 [hbm:s0], s1  }
0x63: {  	s0 =	simm.s32 @!p0 $0x2  }
0x64: {  	_ =	swait.ge @!p0 [sflag:s0], s1  }
0x65: {  	s1 =	ssub.s32 @!p0 $0x0, s1;
	[sflag:s0] =	ssyncset.done @!p0 $0x0  }
0x66: {  	[sflag:s0] =	ssyncadd.s32 @!p0 s1  }
0x67: {  	[bflag:$0x3] =	sbarrier.arrive $0xFFFF  }
0x68: {  	_ =	shalt  }

// kernel: kernel.9.cloned.1.call-start
scs
__scs_entry_jumppad:
0x0: {  	(pc) =	sbr.rel $0x88, $3  }
0x1: {  	(tag) =	ssettag $0x0;
	lr =	simm.s32 $0x1  }
0x2: {  	[smem:$0x3F97] =	sst lr;
	_ =	strace $0xD0000000  }
0x3: {  	_ = 	snop  }
0x4: {  	_ = 	snop  }
0x5: {  	_ = 	snop  }
0x6: {  	_ = 	snop  }
0x7: {  	_ = 	snop  }
__scs_overlays_trampoline_lowered:
0x8: {  	[smem:$0x3FA6] =	sst s0  }
0x9: {  	[smem:$0x3FA7] =	sst s1  }
0xa: {  	[smem:$0x3FA8] =	sst s2  }
0xb: {  	[smem:$0x3FA9] =	sst s3  }
0xc: {  	[smem:$0x3FAA] =	sst s4  }
0xd: {  	[smem:$0x3FAB] =	sst s5  }
0xe: {  	[smem:$0x3FAC] =	sst s6  }
0xf: {  	[smem:$0x3FAD] =	sst s7  }
0x10: {  	[smem:$0x3FAE] =	sst s8  }
0x11: {  	[smem:$0x3FAF] =	sst s9;
	s0 =	simm.s32 @!p0 $0x0  }
0x12: {  	s1 =	sld [smem:$0x3F95];
	s0 =	simm.s32 @p0 $0x1  }
0x13: {  	[smem:$0x3FB0] =	sst s0;
	s0 =	simm.s32 @!p1 $0x0  }
0x14: {  	s2 =	sld [smem:$0x3F94];
	s0 =	simm.s32 @p1 $0x1  }
0x15: {  	[smem:$0x3FB1] =	sst s0;
	s0 =	simm.s32 @!p2 $0x0  }
0x16: {  	s3 =	sld [smem:$0x3FDB];
	s0 =	simm.s32 @p2 $0x1  }
0x17: {  	s4 =	simm.s32 $0x1BF5;
	[smem:$0x3FB3] =	sst s0  }
0x18: {  	s0 =	sld [smem:$0x3F96];
	_ =	swait.ge [sflag:s4], $0x0  }
0x19: {  	s7 =	sld [smem:$0x3F97]  }
0x1a: {  	s8 =	sadd.s32 $0xFFFFE003, lr  }
0x1b: {  	s9 =	sadd.s32 $0xFFFFFEF7, lr;
	s5 =	simm.s32 $0xFFFFFFFF;
	p2 =	slt.u32 s8, $0xFFFFF086  }
0x1c: {  	p1 =	slt.u32 s9, $0xF7A;
	s5 =	simm.s32 @!p2 $0x0  }
0x1d: {  	s5 =	simm.s32 @p1 $0x1;
	p0 =	seq.s32 s7, s2  }
0x1e: {  	s7 =	smul.u32 @!p0 $0xF7A, s2;
	p2 =	seq.s32 @!p0 s5, $0x0  }
0x1f: {  	s9 =	smul.u32 $0xF7A, s1;
	s8 =	simm.s32 @!p0 $0x1BF5;
	p2 =	por !p2, p0  }
0x20: {  	[sflag:s8] =	ssyncset.s32 @!p0 $0xFFFFF086;
	s6 =	sadd.s32 @!p0 s3, s7;
	s7 =	simm.s32 @!p0 $0x108  }
0x21: {  	s3 =	sadd.s32 s3, s9;
	s6 =	sadd.s32 @!p0 $0x88, s6;
	s7 =	simm.s32 @p2 $0x1082  }
0x22: {  	[simem:s7], [sflag:s8] =	dma.local @!p0 [hbm:s6], $0xF7A  }
0x23: {  	s9 =	sor.u32 $0xD0000000, s2;
	s6 =	simm.s32 $0x108;
	_ =	swait.ge @!p0 [sflag:s8], $0x0  }
0x24: {  	s3 =	sadd.s32 $0x88, s3;
	s6 =	simm.s32 @!p1 $0x1082;
	[sflag:s4] =	ssyncset.s32 $0xFFFFF086  }
0x25: {  	[simem:s6], [sflag:s4] =	dma.local [hbm:s3], $0xF7A  }
0x26: {  	[smem:$0x3F97] =	sst s1;
	(tag) =	ssettag s2;
	_ =	strace s9  }
0x27: {  	s1 =	sld [smem:$0x3FA7]  }
0x28: {  	s2 =	sld [smem:$0x3FA8]  }
0x29: {  	s4 =	sld [smem:$0x3FAA]  }
0x2a: {  	p0 =	seq.s32 s5, $0x0;
	s5 =	sld [smem:$0x3FAB]  }
0x2b: {  	s6 =	sld [smem:$0x3FAC]  }
0x2c: {  	s7 =	sld [smem:$0x3FAD]  }
0x2d: {  	s3 =	simm.s32 $0x108;
	s8 =	sld [smem:$0x3FAE]  }
0x2e: {  	s3 =	simm.s32 @!p0 $0x1082;
	s9 =	sld [smem:$0x3FAF]  }
0x2f: {  	lr =	sadd.s32 s0, s3;
	s0 =	sld [smem:$0x3FA6]  }
0x30: {  	s3 =	sld [smem:$0x3FA9]  }
0x31: {  	[smem:$0x3FB2] =	sst s10  }
0x32: {  	s10 =	sld [smem:$0x3FB0];
	_ =	sdelay $0x3  }
0x33: {  	p0 =	seq.s32 s10, $0x1;
	s10 =	sld [smem:$0x3FB2];
	_ =	sdelay $0x3  }
0x34: {  	[smem:$0x3FB2] =	sst s10  }
0x35: {  	s10 =	sld [smem:$0x3FB1];
	_ =	sdelay $0x3  }
0x36: {  	p1 =	seq.s32 s10, $0x1;
	s10 =	sld [smem:$0x3FB2];
	_ =	sdelay $0x3  }
0x37: {  	[smem:$0x3FB2] =	sst s10  }
0x38: {  	s10 =	sld [smem:$0x3FB3]  }
0x39: {  	_ = 	snop;
	(pc) =	sbr.ind lr, $3  }
0x3a: {  	_ = 	snop  }
0x3b: {  	_ = 	snop  }
0x3c: {  	p2 =	seq.s32 s10, $0x1;
	s10 =	sld [smem:$0x3FB2]  }
0x3d: {  	_ =	shalt  }
0x3e: {  	_ =	shalt  }
0x3f: {  	_ =	shalt  }
0x40: {  	_ =	shalt  }
0x41: {  	_ =	shalt  }
0x42: {  	_ =	shalt  }
0x43: {  	_ =	shalt  }
0x44: {  	_ =	shalt  }
0x45: {  	_ =	shalt  }
0x46: {  	_ =	shalt  }
0x47: {  	_ =	shalt  }
0x48: {  	_ =	shalt  }
0x49: {  	_ =	shalt  }
0x4a: {  	_ =	shalt  }
0x4b: {  	_ =	shalt  }
0x4c: {  	_ =	shalt  }
0x4d: {  	_ =	shalt  }
0x4e: {  	_ =	shalt  }
0x4f: {  	_ =	shalt  }
0x50: {  	_ =	shalt  }
0x51: {  	_ =	shalt  }
0x52: {  	_ =	shalt  }
0x53: {  	_ =	shalt  }
0x54: {  	_ =	shalt  }
0x55: {  	_ =	shalt  }
0x56: {  	_ =	shalt  }
0x57: {  	_ =	shalt  }
0x58: {  	_ =	shalt  }
0x59: {  	_ =	shalt  }
0x5a: {  	_ =	shalt  }
0x5b: {  	_ =	shalt  }
0x5c: {  	_ =	shalt  }
0x5d: {  	_ =	shalt  }
0x5e: {  	_ =	shalt  }
0x5f: {  	_ =	shalt  }
0x60: {  	_ =	shalt  }
0x61: {  	_ =	shalt  }
0x62: {  	_ =	shalt  }
0x63: {  	_ =	shalt  }
0x64: {  	_ =	shalt  }
0x65: {  	_ =	shalt  }
0x66: {  	_ =	shalt  }
0x67: {  	_ =	shalt  }
0x68: {  	_ =	shalt  }
0x69: {  	_ =	shalt  }
0x6a: {  	_ =	shalt  }
0x6b: {  	_ =	shalt  }
0x6c: {  	_ =	shalt  }
0x6d: {  	_ =	shalt  }
0x6e: {  	_ =	shalt  }
0x6f: {  	_ =	shalt  }
0x70: {  	_ =	shalt  }
0x71: {  	_ =	shalt  }
0x72: {  	_ =	shalt  }
0x73: {  	_ =	shalt  }
0x74: {  	_ =	shalt  }
0x75: {  	_ =	shalt  }
0x76: {  	_ =	shalt  }
0x77: {  	_ =	shalt  }
0x78: {  	_ =	shalt  }
0x79: {  	_ =	shalt  }
0x7a: {  	_ =	shalt  }
0x7b: {  	_ =	shalt  }
0x7c: {  	_ =	shalt  }
0x7d: {  	_ =	shalt  }
0x7e: {  	_ =	shalt  }
0x7f: {  	_ =	shalt  }
0x80: {  	_ =	shalt  }
0x81: {  	_ =	shalt  }
0x82: {  	_ =	shalt  }
0x83: {  	_ =	shalt  }
0x84: {  	_ =	shalt  }
0x85: {  	_ =	shalt  }
0x86: {  	_ =	shalt  }
0x87: {  	_ =	shalt  }
.Lfunc_end0:
.L_simem_size_0:
called_computation.1_lowered:
.L_overlay_start_0:
0x88: {  	s2 =	sld [smem:$0x3FD9]  }
0x89: {  	s3 =	sld [smem:$0x3FFE];
	_ =	sdelay $0x1  }
0x8a: {  	s1 =	srdreg.scid  }
0x8b: {  	s0 =	sand.u32 $0x1, s1  }
0x8c: {  	s16 =	sshll.u32 s0, $0xA;
	s2 =	sadd.s32 s3, s2  }
0x8d: {  	s2 =	sadd.s32 s2, s16  }
0x8e: {  	[smem:$0x3FBE] =	sst s2  }
0x8f: {  	_ = 	snop  }
0x90: {  	(tm) =	ssettm $0x1  }
0x91: {  	s17 =	sld [smem:$0x3FFB];
	_ =	sdelay $0x3  }
0x92: {  	_ =	strace s17  }
0x93: {  	s2 =	sld [smem:$0x3FFC];
	_ =	sdelay $0x3  }
0x94: {  	_ =	strace s2  }
0x95: {  	s2 =	sld [smem:$0x3FFD];
	_ =	sdelay $0x3  }
0x96: {  	_ =	strace s2  }
0x97: {  	_ =	strace $0x8FFFFFFF  }
0x98: {  	s18 =	sld [smem:$0x3FDB];
	_ =	sdelay $0x1  }
0x99: {  	s19 =	simm.s32 $_scs_section_size  }
0x9a: {  	s4 =	simm.s32 $_size__tile_overlayer_lowered;
	s5 =	simm.s32 $_tile_overlayer_lowered  }
0x9b: {  	s22 =	simm.s32 $0x1BFF;
	s21 =	sshll.u32 s5, $0x1;
	s2 =	sadd.s32 s19, s18  }
0x9c: {  	s6 =	simm.s32 $0x0;
	s20 =	sshll.u32 s4, $0x1;
	s4 =	sadd.s32 s21, s2  }
0x9d: {  	[timem:s6], [sflag:s22] =	dma.local [hbm:s4], s20  }
0x9e: {  	_ =	swait.ge [sflag:s22], s20  }
0x9f: {  	s3 =	ssub.s32 $0x0, s20;
	[sflag:s22] =	ssyncset.done $0x0  }
0xa0: {  	[sflag:s22] =	ssyncadd.s32 s3;
	_ =	sdelay $0x1  }
0xa1: {  	s23 =	simm.s32 $0x1B8B  }
0xa2: {  	_ =	swait.ge [sflag:s23], $0x1  }
0xa3: {  	[sflag:s23] =	ssyncset.done $0x0  }
0xa4: {  	s25 =	simm.s32 $0x1B8E;
	s24 =	sld [smem:$0x3FFE];
	[sflag:s23] =	ssyncadd.s32 $0xFFFFFFFF  }
0xa5: {  	s26 =	simm.s32 $execute0_lowered;
	[smem:$0x3FD2] =	sst s25  }
0xa6: {  	s4 =	sshll.u32 s26, $0x1;
	_ =	strace $0x80000049;
	[dreg:$0x1] =	wrdreg $0xFFFFFFFF  }
0xa7: {  	s28 =	simm.s32 $_size_execute0_lowered;
	s2 =	sadd.s32 s2, s4;
	[dreg:$0x0] =	wrdreg $0x0  }
0xa8: {  	s4 =	sshll.u32 s28, $0x1;
	[dreg:$0x2] =	wrdreg s2  }
0xa9: {  	[dreg:$0x3] =	wrdreg s4  }
0xaa: {  	[dreg:$0x4] =	wrdreg $0xC0  }
0xab: {  	_ =	task [dreg:s6], $0x5FFFF  }
0xac: {  	[dreg:$0x1] =	wrdreg $0xFFFFFFFF  }
0xad: {  	[dreg:$0x0] =	wrdreg $0x60  }
0xae: {  	[dreg:$0x2] =	wrdreg s24  }
0xaf: {  	[dreg:$0x3] =	wrdreg $0xB3000  }
0xb0: {  	[dreg:$0x4] =	wrdreg $0x9  }
0xb1: {  	_ =	task.clear_ibuf [dreg:s6], $0x5FFFF;
	_ =	strace $0x90000049  }
0xb2: {  	s29 =	simm.s32 $0x9;
	_ =	strace $0x8000004B  }
0xb3: {  	_ =	swait.ge [sflag:s29], $0x1  }
0xb4: {  	[sflag:s29] =	ssyncadd.s32 $0xFFFFFFFF  }
0xb5: {  	_ =	strace $0x9000004B  }
0xb6: {  	_ =	sfence  }
0xb7: {  	s30 =	sld [smem:$0x0];
	_ =	sdelay $0x2  }
0xb8: {  	s31 =	sshll.u32 s1, $0xD;
	s1 =	sshrl.u32 s1, $0x2  }
0xb9: {  	s3 =	sand.u32 $0x4000, s31;
	s1 =	sadd.s32 s1, s30  }
0xba: {  	s0 =	sor.u32 s3, s0;
	s1 =	sshll.u32 s1, $0x11  }
0xbb: {  	s0 =	sor.u32 s1, s0  }
0xbc: {  	s0 =	sadd.s32 $0x8F2B, s0  }
0xbd: {  	[sflag:s0] =	ssyncadd.remote.s32 $0x1  }
0xbe: {  	_ =	sfence.sel $0xFFFF  }
0xbf: {  	[dreg:$0x0] =	wrdreg $0xFFFFFFFF;
	(pc) =	sbr.abs _section_cstart, $3  }
0xc0: {  	[dreg:$0x1] =	wrdreg $0xFFFFFFFF  }
0xc1: {  	_ =	task.clear_ibuf [dreg:s6], $0x2FFFF;
	_ =	strace $0x9FFFFFFF  }
0xc2: {  	(tm) =	ssettm $0x7FFFFFFF  }
0xc3: {  	_ =	shalt  }
tec
execute0_lowered:
.L_overlay_start_1:
0x0: {  	(tag) =	ssettag $0x1  }
0x1: {  	s0 =	srdreg.scid;
	s1 =	rddreg [dreg:$0x0]  }
0x2: {  	s12 =	stileid.u32;
	s2 =	rddreg [dreg:$0x1];
	s18 =	simm.s32 $0x1  }
0x3: {  	s19 =	simm.s32 $0x2;
	s20 =	simm.s32 $0x3;
	s21 =	simm.s32 $0x28  }
0x4: {  	s22 =	simm.s32 $0x4F00;
	s23 =	simm.s32 $0x6300;
	s28 =	simm.s32 $0x8B00  }
0x5: {  	s30 =	simm.s32 $0x9F00;
	s31 =	simm.s32 $0x4;
	s17 =	simm.s32 $0x7  }
0x6: {  	s29 =	simm.s32 $0xA;
	s0 =	sand.u32 $0x1, s0;
	s3 =	sshll.u32 s12, $0x1  }
0x7: {  	s5 =	sadd.s32 $0x16200, s1;
	s8 =	smul.u32 $0x4E000, s12;
	s10 =	sadd.s32 $0x8E800, s1  }
0x8: {  	s24 =	smul.u32 $0x13800, s12;
	s13 =	sadd.s32 $0x124800, s2;
	s14 =	sadd.s32 $0x138000, s2  }
0x9: {  	p0 =	seq.s32 s12, $0xF;
	s4 =	sor.u32 s0, s3;
	s3 =	simm.s32 $0x0  }
0xa: {  	s7 =	ssub.s32 $0x2, s0;
	s0 =	smul.u32 $0x138800, s0;
	s12 =	sshll.u32 @!p0 s12, $0x6  }
0xb: {  	s13 =	sshrl.u32 @p0 s13, $0x3;
	s14 =	sshrl.u32 @p0 s14, $0x3;
	s4 =	smul.u32 $0x4E2, s4  }
0xc: {  	[smem:$0x7FF] =	sst s3;
	s9 =	sshrl.u32 s7, $0x1;
	s8 =	sshrl.u32 s8, $0x2  }
0xd: {  	s15 =	sor.u32 @!p0 $0x1C01, s12;
	_ =	strace $0x8000004A;
	s7 =	ssub.s32 s7, s9  }
0xe: {  	s8 =	sadd.s32 s8, s2;
	s26 =	sadd.s32 s24, s0;
	s0 =	sshrl.u32 s0, $0x3  }
0xf: {  	s24 =	simm.s32 $0x8;
	s6 =	sadd.s32 s4, s1;
	s4 =	sadd.s32 $0x67600, s1  }
0x10: {  	s1 =	sadd.s32 $0x18900, s1;
	s0 =	sadd.s32 s10, s0;
	s11 =	smax.u32 s7, $0x1  }
0x11: {  	s16 =	sshrl.u32 @!p0 s8, $0x3;
	[dreg:$0x3] =	wrdreg s1;
	s25 =	sadd.s32 $0xC400, s6  }
0x12: {  	s6 =	sadd.s32 $0x2600, s6;
	s1 =	sshrl.u32 s26, $0x3;
	[dreg:$0x4] =	wrdreg s25  }
0x13: {  	s26 =	simm.s32 $0x9;
	[dreg:$0x5] =	wrdreg s6;
	s1 =	sadd.s32 s10, s1  }
0x14: {  	s10 =	sadd.s32 $0x24900, s0;
	s25 =	simm.s32 $0x7700;
	s0 =	simm.s32 $0x6  }
0x15: {  	s6 =	simm.s32 $0x0;
	[dreg:$0x6] =	wrdreg s1;
	s1 =	simm.s32 $0x5  }
.LBB2_1:
0x16: {  	s7 =	simm.s32 @p0 $0x1FC1  }
0x17: {  	[spmem:s13], [sflag:s7] =	dma.local @p0 [hbm:s5], $0x2700  }
0x18: {  	s7 =	simm.s32 @p0 $0x1FC6;
	s8 =	rddreg [dreg:$0x3]  }
0x19: {  	[spmem:s14], [sflag:s7] =	dma.local @p0 [hbm:s8], $0x100  }
0x1a: {  	s7 =	simm.s32 @p0 $0x6  }
0x1b: {  	_ =	swait.ge @p0 [sflag:s7], $0x100  }
0x1c: {  	[sflag:s7] =	ssyncset.done @p0 $0x0  }
0x1d: {  	[sflag:s7] =	ssyncadd.s32 @p0 $0xFFFFFF00  }
0x1e: {  	[spmem:s16], [sflag:s15] =	dma.local @!p0 [hbm:s5], $0x2700  }
0x1f: {  	s9 =	rddreg [dreg:$0x4]  }
0x20: {  	[tilespmem:s3], [sflag:$0x2] =	stream.linear.gather [hbm4b:s9+s3], $0x2710, $0x38;
	[tilespmem:$0x1EB80] =	vst v63  }
0x21: {  	s8 =	rddreg [dreg:$0x5];
	s9 =	simm.s32 $0x2780  }
0x22: {  	[tilespmem:s9], [sflag:$0x3] =	stream.linear.gather [hbm4b:s8+s3], $0x2710, $0x38;
	[tilespmem:$0x1EB80] =	vst v63  }
0x23: {  	_ =	swait.ge [sflag:s18], $0x2700  }
0x24: {  	[sflag:s18] =	ssyncset.done $0x0  }
0x25: {  	[sflag:s18] =	ssyncadd.s32 $0xFFFFD900  }
0x26: {  	_ =	swait.ge [sflag:s19], $0x2710  }
0x27: {  	[sflag:s19] =	ssyncset.done $0x0  }
0x28: {  	[sflag:s19] =	ssyncadd.s32 $0xFFFFD8F0  }
0x29: {  	_ =	swait.ge [sflag:s20], $0x2710  }
0x2a: {  	[sflag:s20] =	ssyncset.done $0x0  }
0x2b: {  	[sflag:s20] =	ssyncadd.s32 $0xFFFFD8F0  }
0x2c: {  	[bflag:$0x0] =	sbarrier.arrive $0xFFFF  }
0x2d: {  	[tilespmem:s22], [sflag:$0x1] =	stream.indirect.gather [hbm4b:s4+s21], $0x80, s3, s21, $0xb8;
	[tilespmem:$0x1EB80] =	vst v63  }
0x2e: {  	_ = 	snop  }
0x2f: {  	[tilespmem:s23], [sflag:$0x2] =	stream.indirect.gather [hbm4b:s4+s21], $0x80, s21, s21, $0xb8;
	[tilespmem:$0x1EB80] =	vst v63  }
0x30: {  	s8 =	simm.s32 $0x50  }
0x31: {  	[tilespmem:s25], [sflag:$0x3] =	stream.indirect.gather [hbm4b:s4+s21], $0x80, s8, s21, $0xb8;
	[tilespmem:$0x1EB80] =	vst v63  }
0x32: {  	s9 =	simm.s32 $0x78  }
0x33: {  	[tilespmem:s28], [sflag:$0x4] =	stream.indirect.gather [hbm4b:s4+s21], $0x80, s9, s21, $0xb8;
	[tilespmem:$0x1EB80] =	vst v63  }
0x34: {  	s8 =	simm.s32 $0xA0  }
0x35: {  	[tilespmem:s30], [sflag:$0x5] =	stream.indirect.gather [hbm4b:s4+s21], $0x80, s8, s21, $0xb8;
	[tilespmem:$0x1EB80] =	vst v63  }
0x36: {  	_ =	swait.ge [sflag:s18], $0x1400  }
0x37: {  	[sflag:s18] =	ssyncset.done $0x0  }
0x38: {  	s9 =	simm.s32 $0x2780;
	[sflag:s18] =	ssyncadd.s32 $0xFFFFEC00  }
0x39: {  	[spmem:s2] =	stream.indirect.scatter.add.f32 [tilespmem:s22], [sflag:$0x6], $0x80, s9, s21, $0xb8;
	[tilespmem:$0x1EB80] =	vst v63  }
0x3a: {  	_ =	swait.ge [sflag:s19], $0x1400  }
0x3b: {  	[sflag:s19] =	ssyncset.done $0x0  }
0x3c: {  	s8 =	simm.s32 $0x27A8;
	[sflag:s19] =	ssyncadd.s32 $0xFFFFEC00  }
0x3d: {  	[spmem:s2] =	stream.indirect.scatter.add.f32 [tilespmem:s23], [sflag:$0x7], $0x80, s8, s21, $0xb8;
	[tilespmem:$0x1EB80] =	vst v63  }
0x3e: {  	_ =	swait.ge [sflag:s20], $0x1400  }
0x3f: {  	[sflag:s20] =	ssyncset.done $0x0  }
0x40: {  	s9 =	simm.s32 $0x27D0;
	[sflag:s20] =	ssyncadd.s32 $0xFFFFEC00  }
0x41: {  	[spmem:s2] =	stream.indirect.scatter.add.f32 [tilespmem:s25], [sflag:$0x8], $0x80, s9, s21, $0xb8;
	[tilespmem:$0x1EB80] =	vst v63  }
0x42: {  	_ =	swait.ge [sflag:s31], $0x1400  }
0x43: {  	[sflag:s31] =	ssyncset.done $0x0  }
0x44: {  	s8 =	simm.s32 $0x27F8;
	[sflag:s31] =	ssyncadd.s32 $0xFFFFEC00  }
0x45: {  	[spmem:s2] =	stream.indirect.scatter.add.f32 [tilespmem:s28], [sflag:$0x9], $0x80, s8, s21, $0xb8;
	[tilespmem:$0x1EB80] =	vst v63  }
0x46: {  	_ =	swait.ge [sflag:s1], $0x1400  }
0x47: {  	[sflag:s1] =	ssyncset.done $0x0  }
0x48: {  	s9 =	simm.s32 $0x2820;
	[sflag:s1] =	ssyncadd.s32 $0xFFFFEC00  }
0x49: {  	[spmem:s2] =	stream.indirect.scatter.add.f32 [tilespmem:s30], [sflag:$0xA], $0x80, s9, s21, $0xb8;
	[tilespmem:$0x1EB80] =	vst v63  }
0x4a: {  	_ =	swait.ge [sflag:s0], $0x1400  }
0x4b: {  	[sflag:s0] =	ssyncset.done $0x0  }
0x4c: {  	s8 =	simm.s32 $0xC8;
	[sflag:s0] =	ssyncadd.s32 $0xFFFFEC00  }
0x4d: {  	[tilespmem:s22], [sflag:$0x1] =	stream.indirect.gather [hbm4b:s4+s21], $0x80, s8, s21, $0xb8;
	[tilespmem:$0x1EB80] =	vst v63  }
0x4e: {  	_ =	swait.ge [sflag:s17], $0x1400  }
0x4f: {  	[sflag:s17] =	ssyncset.done $0x0  }
0x50: {  	s9 =	simm.s32 $0xF0;
	[sflag:s17] =	ssyncadd.s32 $0xFFFFEC00  }
0x51: {  	[tilespmem:s23], [sflag:$0x2] =	stream.indirect.gather [hbm4b:s4+s21], $0x80, s9, s21, $0xb8;
	[tilespmem:$0x1EB80] =	vst v63  }
0x52: {  	_ =	swait.ge [sflag:s24], $0x1400  }
0x53: {  	[sflag:s24] =	ssyncset.done $0x0  }
0x54: {  	s8 =	simm.s32 $0x118;
	[sflag:s24] =	ssyncadd.s32 $0xFFFFEC00  }
0x55: {  	[tilespmem:s25], [sflag:$0x3] =	stream.indirect.gather [hbm4b:s4+s21], $0x80, s8, s21, $0xb8;
	[tilespmem:$0x1EB80] =	vst v63  }
0x56: {  	_ =	swait.ge [sflag:s26], $0x1400  }
0x57: {  	[sflag:s26] =	ssyncset.done $0x0  }
0x58: {  	s9 =	simm.s32 $0x140;
	[sflag:s26] =	ssyncadd.s32 $0xFFFFEC00  }
0x59: {  	[tilespmem:s28], [sflag:$0x4] =	stream.indirect.gather [hbm4b:s4+s21], $0x80, s9, s21, $0xb8;
	[tilespmem:$0x1EB80] =	vst v63  }
0x5a: {  	_ =	swait.ge [sflag:s29], $0x1400  }
0x5b: {  	[sflag:s29] =	ssyncset.done $0x0  }
0x5c: {  	s7 =	simm.s32 $0x320;
	s8 =	simm.s32 $0x168;
	[sflag:s29] =	ssyncadd.s32 $0xFFFFEC00  }
.LBB2_2:
0x5d: {  	[tilespmem:s30], [sflag:$0x5] =	stream.indirect.gather [hbm4b:s4+s21], $0x80, s8, s21, $0xb8;
	[tilespmem:$0x1EB80] =	vst v63  }
0x5e: {  	s8 =	smov.u32 s7  }
0x5f: {  	p1 =	sne.s32 s7, $0x9600;
	s7 =	sadd.s32 $0x320, s7;
	_ =	swait.ge [sflag:s18], $0x1400  }
0x60: {  	s8 =	sshra.s32 s8, $0x2;
	[sflag:s18] =	ssyncset.done $0x0  }
0x61: {  	s9 =	sadd.s32 $0x2780, s8;
	[sflag:s18] =	ssyncadd.s32 $0xFFFFEC00  }
0x62: {  	[spmem:s2] =	stream.indirect.scatter.add.f32 [tilespmem:s22], [sflag:$0x6], $0x80, s9, s21, $0xb8;
	[tilespmem:$0x1EB80] =	vst v63  }
0x63: {  	_ =	swait.ge [sflag:s19], $0x1400  }
0x64: {  	[sflag:s19] =	ssyncset.done $0x0  }
0x65: {  	s9 =	sadd.s32 $0x27A8, s8;
	[sflag:s19] =	ssyncadd.s32 $0xFFFFEC00  }
0x66: {  	[spmem:s2] =	stream.indirect.scatter.add.f32 [tilespmem:s23], [sflag:$0x7], $0x80, s9, s21, $0xb8;
	[tilespmem:$0x1EB80] =	vst v63  }
0x67: {  	_ =	swait.ge [sflag:s20], $0x1400  }
0x68: {  	[sflag:s20] =	ssyncset.done $0x0  }
0x69: {  	s9 =	sadd.s32 $0x27D0, s8;
	[sflag:s20] =	ssyncadd.s32 $0xFFFFEC00  }
0x6a: {  	[spmem:s2] =	stream.indirect.scatter.add.f32 [tilespmem:s25], [sflag:$0x8], $0x80, s9, s21, $0xb8;
	[tilespmem:$0x1EB80] =	vst v63  }
0x6b: {  	_ =	swait.ge [sflag:s31], $0x1400  }
0x6c: {  	[sflag:s31] =	ssyncset.done $0x0  }
0x6d: {  	s9 =	sadd.s32 $0x27F8, s8;
	[sflag:s31] =	ssyncadd.s32 $0xFFFFEC00  }
0x6e: {  	[spmem:s2] =	stream.indirect.scatter.add.f32 [tilespmem:s28], [sflag:$0x9], $0x80, s9, s21, $0xb8;
	[tilespmem:$0x1EB80] =	vst v63  }
0x6f: {  	_ =	swait.ge [sflag:s1], $0x1400  }
0x70: {  	[sflag:s1] =	ssyncset.done $0x0  }
0x71: {  	s9 =	sadd.s32 $0x2820, s8;
	[sflag:s1] =	ssyncadd.s32 $0xFFFFEC00  }
0x72: {  	[spmem:s2] =	stream.indirect.scatter.add.f32 [tilespmem:s30], [sflag:$0xA], $0x80, s9, s21, $0xb8;
	[tilespmem:$0x1EB80] =	vst v63  }
0x73: {  	_ =	swait.ge [sflag:s0], $0x1400  }
0x74: {  	[sflag:s0] =	ssyncset.done $0x0  }
0x75: {  	s9 =	sadd.s32 $0xC8, s8;
	[sflag:s0] =	ssyncadd.s32 $0xFFFFEC00  }
0x76: {  	[tilespmem:s22], [sflag:$0x1] =	stream.indirect.gather [hbm4b:s4+s21], $0x80, s9, s21, $0xb8;
	[tilespmem:$0x1EB80] =	vst v63  }
0x77: {  	_ =	swait.ge [sflag:s17], $0x1400  }
0x78: {  	[sflag:s17] =	ssyncset.done $0x0  }
0x79: {  	s9 =	sadd.s32 $0xF0, s8;
	[sflag:s17] =	ssyncadd.s32 $0xFFFFEC00  }
0x7a: {  	[tilespmem:s23], [sflag:$0x2] =	stream.indirect.gather [hbm4b:s4+s21], $0x80, s9, s21, $0xb8;
	[tilespmem:$0x1EB80] =	vst v63  }
0x7b: {  	_ =	swait.ge [sflag:s24], $0x1400  }
0x7c: {  	[sflag:s24] =	ssyncset.done $0x0  }
0x7d: {  	s9 =	sadd.s32 $0x118, s8;
	[sflag:s24] =	ssyncadd.s32 $0xFFFFEC00  }
0x7e: {  	[tilespmem:s25], [sflag:$0x3] =	stream.indirect.gather [hbm4b:s4+s21], $0x80, s9, s21, $0xb8;
	[tilespmem:$0x1EB80] =	vst v63  }
0x7f: {  	_ =	swait.ge [sflag:s26], $0x1400  }
0x80: {  	[sflag:s26] =	ssyncset.done $0x0  }
.Ltmp0:
0x81: {  	s9 =	sadd.s32 $0x140, s8;
	[sflag:s26] =	ssyncadd.s32 $0xFFFFEC00;
	(pc) =	sbr.rel @p1 .LBB2_2-.Ltmp0, $4  }
0x82: {  	[tilespmem:s28], [sflag:$0x4] =	stream.indirect.gather [hbm4b:s4+s21], $0x80, s9, s21, $0xb8;
	[tilespmem:$0x1EB80] =	vst v63  }
0x83: {  	_ =	swait.ge [sflag:s29], $0x1400  }
0x84: {  	[sflag:s29] =	ssyncset.done $0x0  }
0x85: {  	s8 =	sadd.s32 $0x168, s8;
	[sflag:s29] =	ssyncadd.s32 $0xFFFFEC00  }
0x86: {  	[tilespmem:s30], [sflag:$0x5] =	stream.indirect.gather [hbm4b:s4+s21], $0x80, s8, s21, $0xb8;
	[tilespmem:$0x1EB80] =	vst v63  }
0x87: {  	_ =	swait.ge [sflag:s18], $0x1400  }
0x88: {  	[sflag:s18] =	ssyncset.done $0x0  }
0x89: {  	s7 =	simm.s32 $0x4DC8;
	[sflag:s18] =	ssyncadd.s32 $0xFFFFEC00  }
0x8a: {  	[spmem:s2] =	stream.indirect.scatter.add.f32 [tilespmem:s22], [sflag:$0x6], $0x80, s7, s21, $0xb8;
	[tilespmem:$0x1EB80] =	vst v63  }
0x8b: {  	_ =	swait.ge [sflag:s19], $0x1400  }
0x8c: {  	[sflag:s19] =	ssyncset.done $0x0  }
0x8d: {  	s8 =	simm.s32 $0x4DF0;
	[sflag:s19] =	ssyncadd.s32 $0xFFFFEC00  }
0x8e: {  	[spmem:s2] =	stream.indirect.scatter.add.f32 [tilespmem:s23], [sflag:$0x7], $0x80, s8, s21, $0xb8;
	[tilespmem:$0x1EB80] =	vst v63  }
0x8f: {  	_ =	swait.ge [sflag:s20], $0x1400  }
0x90: {  	[sflag:s20] =	ssyncset.done $0x0  }
0x91: {  	s9 =	simm.s32 $0x4E18;
	[sflag:s20] =	ssyncadd.s32 $0xFFFFEC00  }
0x92: {  	[spmem:s2] =	stream.indirect.scatter.add.f32 [tilespmem:s25], [sflag:$0x8], $0x80, s9, s21, $0xb8;
	[tilespmem:$0x1EB80] =	vst v63  }
0x93: {  	_ =	swait.ge [sflag:s31], $0x1400  }
0x94: {  	[sflag:s31] =	ssyncset.done $0x0  }
0x95: {  	s8 =	simm.s32 $0x4E40;
	[sflag:s31] =	ssyncadd.s32 $0xFFFFEC00  }
0x96: {  	[spmem:s2] =	stream.indirect.scatter.add.f32 [tilespmem:s28], [sflag:$0x9], $0x80, s8, s21, $0xb8;
	[tilespmem:$0x1EB80] =	vst v63  }
0x97: {  	_ =	swait.ge [sflag:s1], $0x1400  }
0x98: {  	[sflag:s1] =	ssyncset.done $0x0  }
0x99: {  	s9 =	simm.s32 $0x4E68;
	[sflag:s1] =	ssyncadd.s32 $0xFFFFEC00  }
0x9a: {  	[spmem:s2] =	stream.indirect.scatter.add.f32 [tilespmem:s30], [sflag:$0xA], $0x80, s9, s21, $0xb8;
	[tilespmem:$0x1EB80] =	vst v63  }
0x9b: {  	_ =	swait.ge [sflag:s0], $0x1400  }
0x9c: {  	[sflag:s0] =	ssyncset.done $0x0  }
0x9d: {  	[sflag:s0] =	ssyncadd.s32 $0xFFFFEC00  }
0x9e: {  	_ =	swait.ge [sflag:s17], $0x1400  }
0x9f: {  	[sflag:s17] =	ssyncset.done $0x0  }
0xa0: {  	[sflag:s17] =	ssyncadd.s32 $0xFFFFEC00  }
0xa1: {  	_ =	swait.ge [sflag:s24], $0x1400  }
0xa2: {  	[sflag:s24] =	ssyncset.done $0x0  }
0xa3: {  	[sflag:s24] =	ssyncadd.s32 $0xFFFFEC00  }
0xa4: {  	_ =	swait.ge [sflag:s26], $0x1400  }
0xa5: {  	[sflag:s26] =	ssyncset.done $0x0  }
0xa6: {  	[sflag:s26] =	ssyncadd.s32 $0xFFFFEC00  }
0xa7: {  	_ =	swait.ge [sflag:s29], $0x1400  }
0xa8: {  	[sflag:s29] =	ssyncset.done $0x0  }
0xa9: {  	[sflag:s29] =	ssyncadd.s32 $0xFFFFEC00  }
0xaa: {  	s7 =	simm.s32 @p0 $0x1FCB;
	[bflag:$0x0] =	sbarrier.arrive $0xFFFF  }
0xab: {  	[hbm:s10], [sflag:s7] =	dma.local @p0 [spmem:s13], $0x2800  }
0xac: {  	s7 =	simm.s32 @p0 $0xB  }
0xad: {  	s6 =	sadd.s32 $0x1, s6;
	_ =	swait.ge @p0 [sflag:s7], $0x2800  }
0xae: {  	p1 =	sne.s32 s6, s11;
	[sflag:s7] =	ssyncset.done @p0 $0x0  }
0xaf: {  	s8 =	rddreg [dreg:$0x6];
	[sflag:s7] =	ssyncadd.s32 @p0 $0xFFFFD800;
	s7 =	sor.u32 @!p0 $0x1C0B, s12  }
0xb0: {  	[hbm:s8], [sflag:s7] =	dma.local @!p0 [spmem:s16], $0x2700  }
.Ltmp1:
0xb1: {  	_ = 	snop;
	(pc) =	sbr.rel @p1 .LBB2_1-.Ltmp1, $4  }
0xb2: {  	s7 =	simm.s32 @!p0 $0xB  }
0xb3: {  	_ =	swait.ge @!p0 [sflag:s7], $0x2700  }
0xb4: {  	[sflag:s7] =	ssyncset.done @!p0 $0x0  }
0xb5: {  	[sflag:s7] =	ssyncadd.s32 @!p0 $0xFFFFD900  }
0xb6: {  	_ =	sfence.sel $0x180000  }
0xb7: {  	[bflag:$0x0] =	sbarrier.arrive $0xFFFF  }
0xb8: {  	_ =	strace $0x9000004A  }
0xb9: {  	s0 =	stileid.u32;
	[bflag:$0x2] =	sbarrier.arrive $0xFFFF  }
0xba: {  	p0 =	sne.s32 s0, $0x0;
	s0 =	rddreg [dreg:$0x2]  }
0xbb: {  	s0 =	sadd.s32 @!p0 $0x100000, s0  }
0xbc: {  	[sflag:s0] =	ssyncadd.tile.s32 @!p0 $0x1;
	_ =	shalt  }
.Lfunc_end2:
_tile_overlayer_lowered:
.L_overlay_start_2:
0xbd: {  	(tag) =	ssettag $0x2  }
0xbe: {  	s0 =	rddreg [dreg:$0x0];
	s2 =	stileid.u32  }
0xbf: {  	s1 =	rddreg [dreg:$0x1];
	p0 =	sne.s32 s2, $0x0  }
0xc0: {  	s3 =	rddreg [dreg:$0x2];
	[bflag:$0x3] =	sbarrier.arrive $0xFFFF;
	s2 =	simm.s32 @!p0 $0x1C0B  }
0xc1: {  	[timem:s3], [sflag:s2] =	dma.local @!p0 [hbm:s0], s1  }
0xc2: {  	s0 =	simm.s32 @!p0 $0xB  }
0xc3: {  	_ =	swait.ge @!p0 [sflag:s0], s1  }
0xc4: {  	s1 =	ssub.s32 @!p0 $0x0, s1;
	[sflag:s0] =	ssyncset.done @!p0 $0x0  }
0xc5: {  	[sflag:s0] =	ssyncadd.s32 @!p0 s1  }
0xc6: {  	[bflag:$0x3] =	sbarrier.arrive $0xFFFF  }
0xc7: {  	_ =	shalt  }

</sc_bundles>
